<compile_context>
chip_gen: v7x
topology: tpu7x:2x2x1
jax: 0.10.2.dev20260603
libtpu: 0.0.44.dev20260713+nightly
codegen_flags: <defaults>
</compile_context>

<pallas_src>
import jax
import jax.numpy as jnp
from jax import lax
from jax.experimental import pallas as pl
from jax.experimental.pallas import tpu as pltpu
from jax.experimental.pallas import tpu_sc as plsc

N_EXPERTS = 64
CAPACITY_FACTOR = 1.25

N_TOKENS = 16384
TOP_K = 8
STREAM = N_TOKENS * TOP_K
NW = 16
CHUNK = STREAM // NW
NSTREAMS = 4
NSUB = 16 * NSTREAMS
SUB = CHUNK // NSUB
SLICE = CHUNK // NSTREAMS
TOK_W = N_TOKENS // NW


def _sc_body(e_hbm, w_hbm, cap_hbm, wc_hbm, ov_hbm,
             e_v, w_v, pos_v, wc_v, cnt_all, off_v, tot_v, base_v, all_tot_v,
             cap_v, acc8_v, ov_v, w_sem, shared_tot, shared_wc):
    wid = lax.axis_index("s")
    iota = lax.iota(jnp.int32, 16)
    zeros16 = jnp.zeros((16,), jnp.int32)

    base_el = wid * CHUNK
    pltpu.sync_copy(e_hbm.at[pl.ds(base_el, CHUNK)], e_v)
    w_cp = pltpu.async_copy(w_hbm.at[pl.ds(base_el, CHUNK)], w_v, w_sem)
    pltpu.sync_copy(cap_hbm, cap_v)

    @plsc.parallel_loop(0, NSTREAMS * N_EXPERTS * 16, step=16)
    def _zero(i):
        cnt_all[pl.ds(i, 16)] = zeros16

    def scan_step(t, c):
        @plsc.parallel_loop(0, NSTREAMS, unroll=NSTREAMS)
        def _streams(k):
            idx = iota * SUB + (k * SLICE + t)
            e = plsc.load_gather(e_v, [idx])
            cidx = k * (N_EXPERTS * 16) + e * 16 + iota
            cnt = plsc.load_gather(cnt_all, [cidx])
            plsc.store_scatter(pos_v, [idx], cnt)
            plsc.store_scatter(cnt_all, [cidx], cnt + 1)

        return c

    lax.fori_loop(0, SUB, scan_step, 0)

    for g in range(N_EXPERTS // 16):
        acc = zeros16
        for k in range(NSTREAMS):
            def tot_step(j, a, g=g, k=k):
                return a + plsc.load_gather(
                    cnt_all, [k * (N_EXPERTS * 16) + (g * 16 + iota) * 16 + j])

            acc = lax.fori_loop(0, 16, tot_step, acc)
        tot_v[pl.ds(g * 16, 16)] = acc

    pltpu.sync_copy(tot_v, shared_tot.at[wid])
    plsc.subcore_barrier()
    pltpu.sync_copy(shared_tot, all_tot_v)

    for g in range(N_EXPERTS // 16):
        def base_step(wp, acc, g=g):
            v = all_tot_v[wp, pl.ds(g * 16, 16)]
            return acc + v * (wp < wid).astype(jnp.int32)

        base_v[pl.ds(g * 16, 16)] = lax.fori_loop(0, NW, base_step, zeros16)

    def off_step(e, c):
        carry = plsc.load_gather(base_v, [jnp.full((16,), 0, jnp.int32) + e])
        for k in range(NSTREAMS):
            vk = cnt_all[pl.ds(k * (N_EXPERTS * 16) + e * 16, 16)]
            off_v[pl.ds(e * NSUB + k * 16, 16)] = plsc.cumsum(vk) - vk + carry
            carry = carry + jnp.sum(vk)
        return c

    lax.fori_loop(0, N_EXPERTS, off_step, 0)

    cap_vec = cap_v[...]
    w_cp.wait()

    @plsc.parallel_loop(0, CHUNK, step=16, unroll=2)
    def _mask(i):
        sl = pl.ds(i, 16)
        e = e_v[sl]
        u = i // SUB
        off = plsc.load_gather(off_v, [e * NSUB + u])
        keep = pos_v[sl] + off < cap_vec
        wvec = w_v[sl]
        wc_v[sl] = jnp.where(keep, wvec, jnp.zeros_like(wvec))

    pltpu.sync_copy(wc_v, wc_hbm.at[pl.ds(base_el, CHUNK)])
    pltpu.sync_copy(wc_v, shared_wc.at[pl.ds(base_el, CHUNK)])
    plsc.subcore_barrier()

    for slot in range(TOP_K):
        pltpu.sync_copy(
            shared_wc.at[pl.ds(slot * N_TOKENS + wid * TOK_W, TOK_W)],
            acc8_v.at[slot])

    @plsc.parallel_loop(0, TOK_W, step=16, unroll=2)
    def _ov(i):
        sl = pl.ds(i, 16)
        s = acc8_v[0, sl]
        for slot in range(1, TOP_K):
            s = s + acc8_v[slot, sl]
        ov_v[sl] = (s == 0.0).astype(jnp.int32)

    pltpu.sync_copy(ov_v, ov_hbm.at[pl.ds(wid * TOK_W, TOK_W)])


@jax.jit
def _sc_call(e_flat, w_flat, cap16):
    mesh = plsc.VectorSubcoreMesh(
        core_axis_name="c", subcore_axis_name="s", num_cores=1, num_subcores=NW)
    return pl.kernel(
        _sc_body,
        out_type=[
            jax.ShapeDtypeStruct((STREAM,), jnp.float32),
            jax.ShapeDtypeStruct((N_TOKENS,), jnp.int32),
        ],
        mesh=mesh,
        compiler_params=pltpu.CompilerParams(needs_layout_passes=False),
        scratch_types=[
            pltpu.VMEM((CHUNK,), jnp.int32),
            pltpu.VMEM((CHUNK,), jnp.float32),
            pltpu.VMEM((CHUNK,), jnp.int32),
            pltpu.VMEM((CHUNK,), jnp.float32),
            pltpu.VMEM((NSTREAMS * N_EXPERTS * 16,), jnp.int32),
            pltpu.VMEM((N_EXPERTS * NSUB,), jnp.int32),
            pltpu.VMEM((N_EXPERTS,), jnp.int32),
            pltpu.VMEM((N_EXPERTS,), jnp.int32),
            pltpu.VMEM((NW, N_EXPERTS), jnp.int32),
            pltpu.VMEM((16,), jnp.int32),
            pltpu.VMEM((TOP_K, TOK_W), jnp.float32),
            pltpu.VMEM((TOK_W,), jnp.int32),
            pltpu.SemaphoreType.DMA,
            pltpu.VMEM_SHARED((NW, N_EXPERTS), jnp.int32),
            pltpu.VMEM_SHARED((STREAM,), jnp.float32),
        ],
    )(e_flat, w_flat, cap16)


def kernel(dispatch_weights, expert_indices, n_tokens):
    n, top_k = dispatch_weights.shape
    capacity = jnp.maximum(
        1, jnp.ceil(CAPACITY_FACTOR * n_tokens * top_k / N_EXPERTS)
    ).astype(jnp.int32)
    e_flat = expert_indices.T.reshape(-1).astype(jnp.int32)
    w_flat = dispatch_weights.T.reshape(-1)
    cap16 = jnp.full((16,), capacity, jnp.int32)
    wc_flat, ov = _sc_call(e_flat, w_flat, cap16)
    weights_capped = wc_flat.reshape(top_k, n).T
    overflow_mask = ov.astype(bool)
    return (weights_capped, expert_indices, overflow_mask)

# --- scband reference (transcript-rebuilt; emitter-appended) ---
"""Pipeline reference for scband-expert-capacity-buffer-80444737454353 (READ-ONLY COPY).

The authoritative reference and input builder live on the scoring server;
editing this copy changes nothing except your own understanding.
"""

import jax, jax.numpy as jnp
import numpy as np
import math

N_EXPERTS = 64
CAPACITY_FACTOR = 1.25


def setup_inputs(seed: int = 0) -> dict:
    key = jax.random.key(seed)
    k1, k2 = jax.random.split(key)
    N, TOP_K = 16384, 8
    dispatch_weights = jax.random.uniform(k1, (N, TOP_K), dtype=jnp.float32)
    expert_indices = jax.random.randint(k2, (N, TOP_K), 0, N_EXPERTS)
    return {
        "dispatch_weights": dispatch_weights,
        "expert_indices": expert_indices,
        "n_tokens": N,
    }


def reference(dispatch_weights, expert_indices, n_tokens):
    # Faithful vectorization of the torch double loop:
    #   for slot in range(top_k): for tok in range(N): ...
    # Priority order is slot-major (slot outer, token inner). A token's slot
    # is kept iff fewer than `capacity` earlier (slot-major) assignments went
    # to the same expert.
    top_k = dispatch_weights.shape[1]
    n_static = dispatch_weights.shape[0]
    capacity = jnp.maximum(
        1, jnp.ceil(CAPACITY_FACTOR * n_tokens * top_k / N_EXPERTS)
    ).astype(jnp.int32)

    # slot-major flattening: element order = slot*N + tok (matches the loop order)
    flat_e = expert_indices.T.reshape(-1)  # (top_k * N,)
    oh = jax.nn.one_hot(flat_e, N_EXPERTS, dtype=jnp.int32)  # (top_k*N, E)
    incl = jnp.cumsum(oh, axis=0)  # inclusive per-expert running count
    excl = incl - oh  # exclusive count (how many earlier elements hit same expert)
    pos_in_expert = jnp.take_along_axis(excl, flat_e[:, None], axis=1)[:, 0]
    keep_flat = pos_in_expert < capacity  # (top_k*N,)
    keep = keep_flat.reshape(top_k, n_static).T  # back to (N, top_k)

    weights_capped = dispatch_weights * keep.astype(dispatch_weights.dtype)
    overflow_mask = weights_capped.sum(axis=-1) == 0.0
    return (weights_capped, expert_indices, overflow_mask)

if __name__ == "__main__":
    import jax
    _d = setup_inputs()
    print(jax.jit(kernel)(*tuple(_d.values())))

</pallas_src>

<mosaic_0001>
#map = affine_map<(d0, d1) -> (0)>
module attributes {stable_mosaic.version = 14 : i64} {
  func.func @_sc_body(%arg0: i32, %arg1: i32, %arg2: memref<131072xi32, #tpu.memory_space<hbm>>, %arg3: memref<131072xf32, #tpu.memory_space<hbm>>, %arg4: memref<16xi32, #tpu.memory_space<hbm>>, %arg5: memref<131072xf32, #tpu.memory_space<hbm>>, %arg6: memref<16384xi32, #tpu.memory_space<hbm>>, %arg7: memref<8192xi32, #tpu.memory_space<vmem>>, %arg8: memref<8192xf32, #tpu.memory_space<vmem>>, %arg9: memref<8192xi32, #tpu.memory_space<vmem>>, %arg10: memref<8192xf32, #tpu.memory_space<vmem>>, %arg11: memref<4096xi32, #tpu.memory_space<vmem>>, %arg12: memref<4096xi32, #tpu.memory_space<vmem>>, %arg13: memref<64xi32, #tpu.memory_space<vmem>>, %arg14: memref<64xi32, #tpu.memory_space<vmem>>, %arg15: memref<16x64xi32, #tpu.memory_space<vmem>>, %arg16: memref<16xi32, #tpu.memory_space<vmem>>, %arg17: memref<8x1024xf32, #tpu.memory_space<vmem>>, %arg18: memref<1024xi32, #tpu.memory_space<vmem>>, %arg19: memref<!tpu.dma_semaphore, #tpu.memory_space<semaphore_mem>>, %arg20: memref<16x64xi32, #tpu.memory_space<vmem_shared>>, %arg21: memref<131072xf32, #tpu.memory_space<vmem_shared>>) attributes {dimension_semantics = [#tpu.dimension_semantics<core_parallel>, #tpu.dimension_semantics<subcore_parallel>], iteration_bounds = array<i64: 1, 16>, scalar_prefetch = 0 : i64, scratch_operands = 15 : i64, tpu.core_type = #tpu.core_type<sc_vector_subcore>, window_params = [{transform_indices = #map}, {transform_indices = #map}, {transform_indices = #map}, {transform_indices = #map}, {transform_indices = #map}]} {
    %iota3A = tpu.iota {dimensions = array<i32: 0>} : vector<16xi32>
    %broadcast_in_dim3A = arith.constant 0 : i32
    %broadcast_in_dim3A_0 = vector.broadcast %broadcast_in_dim3A : i32 to vector<16xi32>
    %mul3A = arith.constant 8192 : i32
    %mul3A_1 = arith.muli %arg1, %mul3A : i32
    "tpu.region"() ({
      %run_scoped3A_200 = tpu.sem_alloc : memref<!tpu.dma_semaphore, #tpu.memory_space<semaphore_mem>>
      %dma_start3A_201 = tpu.memref_slice %arg2[%mul3A_1] : memref<131072xi32, #tpu.memory_space<hbm>> -> memref<8192xi32, #tpu.memory_space<hbm>>
      %dma_start3A_202 = tpu.memref_slice %arg2[%mul3A_1] : memref<131072xi32, #tpu.memory_space<hbm>> -> memref<8192xi32, #tpu.memory_space<hbm>>
      tpu.enqueue_dma source(%dma_start3A_202 : memref<8192xi32, #tpu.memory_space<hbm>>) target(%arg7 : memref<8192xi32, #tpu.memory_space<vmem>>) target_semaphore(%run_scoped3A_200 : memref<!tpu.dma_semaphore, #tpu.memory_space<semaphore_mem>>)
      %dma_wait3A_203 = tpu.memref_slice %arg2[%mul3A_1] : memref<131072xi32, #tpu.memory_space<hbm>> -> memref<8192xi32, #tpu.memory_space<hbm>>
      %dma_wait3A_204 = tpu.memref_slice %arg2[%mul3A_1] : memref<131072xi32, #tpu.memory_space<hbm>> -> memref<8192xi32, #tpu.memory_space<hbm>>
      tpu.wait_dma2 semaphore(%run_scoped3A_200 : memref<!tpu.dma_semaphore, #tpu.memory_space<semaphore_mem>>) src(%dma_wait3A_204 : memref<8192xi32, #tpu.memory_space<hbm>>) dst(%arg7 : memref<8192xi32, #tpu.memory_space<vmem>>)
      tpu.yield
    }) : () -> ()
    %dma_start3A = tpu.memref_slice %arg3[%mul3A_1] : memref<131072xf32, #tpu.memory_space<hbm>> -> memref<8192xf32, #tpu.memory_space<hbm>>
    %dma_start3A_2 = tpu.memref_slice %arg3[%mul3A_1] : memref<131072xf32, #tpu.memory_space<hbm>> -> memref<8192xf32, #tpu.memory_space<hbm>>
    tpu.enqueue_dma source(%dma_start3A_2 : memref<8192xf32, #tpu.memory_space<hbm>>) target(%arg8 : memref<8192xf32, #tpu.memory_space<vmem>>) target_semaphore(%arg19 : memref<!tpu.dma_semaphore, #tpu.memory_space<semaphore_mem>>)
    "tpu.region"() ({
      %run_scoped3A_200 = tpu.sem_alloc : memref<!tpu.dma_semaphore, #tpu.memory_space<semaphore_mem>>
      tpu.enqueue_dma source(%arg4 : memref<16xi32, #tpu.memory_space<hbm>>) target(%arg16 : memref<16xi32, #tpu.memory_space<vmem>>) target_semaphore(%run_scoped3A_200 : memref<!tpu.dma_semaphore, #tpu.memory_space<semaphore_mem>>)
      tpu.wait_dma2 semaphore(%run_scoped3A_200 : memref<!tpu.dma_semaphore, #tpu.memory_space<semaphore_mem>>) src(%arg4 : memref<16xi32, #tpu.memory_space<hbm>>) dst(%arg16 : memref<16xi32, #tpu.memory_space<vmem>>)
      tpu.yield
    }) : () -> ()
    %parallel_loop3A = arith.constant 0 : i32
    %parallel_loop3A_3 = arith.constant 4096 : i32
    %parallel_loop3A_4 = arith.constant 16 : i32
    scf.for %parallel_loop3A_200 = %parallel_loop3A to %parallel_loop3A_3 step %parallel_loop3A_4  : i32 {
      %parallel_loop3A_201 = arith.index_cast %parallel_loop3A_200 : i32 to index
      %parallel_loop3A_202 = tpu.vector_load %arg11[%parallel_loop3A_201] {strides = array<i32>} : memref<4096xi32, #tpu.memory_space<vmem>>, vector<16xi32>,
      tpu.vector_store %arg11[%parallel_loop3A_201], %broadcast_in_dim3A_0 {strides = array<i32>} : memref<4096xi32, #tpu.memory_space<vmem>>, vector<16xi32>,
    } {sc.loop_unroll_factor = 1 : i64, sc.parallel_access}
    %scan3A = arith.constant 0 : i32
    %scan3A_5 = arith.constant 0 : i32
    %scan3A_6 = arith.constant 128 : i32
    %scan3A_7 = arith.addi %scan3A_5, %scan3A_6 : i32
    %scan3A_8 = arith.constant 1 : i32
    scf.for %scan3A_200 = %scan3A_5 to %scan3A_7 step %scan3A_8  : i32 {
      %parallel_loop3A_201 = arith.constant 0 : i32
      %parallel_loop3A_202 = arith.constant 4 : i32
      %parallel_loop3A_203 = arith.constant 1 : i32
      scf.for %parallel_loop3A_204 = %parallel_loop3A_201 to %parallel_loop3A_202 step %parallel_loop3A_203  : i32 {
        %parallel_loop3A_205 = arith.constant 128 : i32
        %parallel_loop3A_206 = vector.broadcast %parallel_loop3A_205 : i32 to vector<16xi32>
        %parallel_loop3A_207 = arith.muli %iota3A, %parallel_loop3A_206 : vector<16xi32>
        %parallel_loop3A_208 = arith.constant 2048 : i32
        %parallel_loop3A_209 = arith.muli %parallel_loop3A_204, %parallel_loop3A_208 : i32
        %parallel_loop3A_210 = arith.addi %parallel_loop3A_209, %scan3A_200 : i32
        %parallel_loop3A_211 = vector.broadcast %parallel_loop3A_210 : i32 to vector<16xi32>
        %parallel_loop3A_212 = arith.addi %parallel_loop3A_207, %parallel_loop3A_211 : vector<16xi32>
        %parallel_loop3A_213 = tpu.vector_load_idx %arg7[%parallel_loop3A_212] : memref<8192xi32, #tpu.memory_space<vmem>>[vector<16xi32>], vector<16xi32>,
        %parallel_loop3A_214 = arith.constant 1024 : i32
        %parallel_loop3A_215 = arith.muli %parallel_loop3A_204, %parallel_loop3A_214 : i32
        %parallel_loop3A_216 = arith.constant 16 : i32
        %parallel_loop3A_217 = vector.broadcast %parallel_loop3A_216 : i32 to vector<16xi32>
        %parallel_loop3A_218 = arith.muli %parallel_loop3A_213, %parallel_loop3A_217 : vector<16xi32>
        %parallel_loop3A_219 = vector.broadcast %parallel_loop3A_215 : i32 to vector<16xi32>
        %parallel_loop3A_220 = arith.addi %parallel_loop3A_219, %parallel_loop3A_218 : vector<16xi32>
        %parallel_loop3A_221 = arith.addi %parallel_loop3A_220, %iota3A : vector<16xi32>
        %parallel_loop3A_222 = tpu.vector_load_idx %arg11[%parallel_loop3A_221] : memref<4096xi32, #tpu.memory_space<vmem>>[vector<16xi32>], vector<16xi32>,
        tpu.vector_store_idx %arg9[%parallel_loop3A_212], %parallel_loop3A_222 : memref<8192xi32, #tpu.memory_space<vmem>>[vector<16xi32>], vector<16xi32>,
        %parallel_loop3A_223 = arith.constant 1 : i32
        %parallel_loop3A_224 = vector.broadcast %parallel_loop3A_223 : i32 to vector<16xi32>
        %parallel_loop3A_225 = arith.addi %parallel_loop3A_222, %parallel_loop3A_224 : vector<16xi32>
        tpu.vector_store_idx %arg11[%parallel_loop3A_221], %parallel_loop3A_225 : memref<4096xi32, #tpu.memory_space<vmem>>[vector<16xi32>], vector<16xi32>,
      } {sc.loop_unroll_factor = 4 : i64, sc.parallel_access}
    }
    %scan3A_9 = arith.constant 128 : i32
    %scan3A_10 = arith.constant 0 : i32
    %scan3A_11 = arith.constant 16 : i32
    %scan3A_12 = arith.addi %scan3A_10, %scan3A_11 : i32
    %scan3A_13 = arith.constant 1 : i32
    %scan3A_14 = scf.for %scan3A_200 = %scan3A_10 to %scan3A_12 step %scan3A_13 iter_args(%scan3A_201 = %broadcast_in_dim3A_0) -> (vector<16xi32>)  : i32 {
      %add3A_202 = arith.constant 0 : i32
      %add3A_203 = vector.broadcast %add3A_202 : i32 to vector<16xi32>
      %add3A_204 = arith.addi %add3A_203, %iota3A : vector<16xi32>
      %mul3A_205 = arith.constant 16 : i32
      %mul3A_206 = vector.broadcast %mul3A_205 : i32 to vector<16xi32>
      %mul3A_207 = arith.muli %add3A_204, %mul3A_206 : vector<16xi32>
      %add3A_208 = arith.constant 0 : i32
      %add3A_209 = vector.broadcast %add3A_208 : i32 to vector<16xi32>
      %add3A_210 = arith.addi %add3A_209, %mul3A_207 : vector<16xi32>
      %add3A_211 = vector.broadcast %scan3A_200 : i32 to vector<16xi32>
      %add3A_212 = arith.addi %add3A_210, %add3A_211 : vector<16xi32>
      %gather3A = tpu.vector_load_idx %arg11[%add3A_212] : memref<4096xi32, #tpu.memory_space<vmem>>[vector<16xi32>], vector<16xi32>,
      %add3A_213 = arith.addi %scan3A_201, %gather3A : vector<16xi32>
      scf.yield %add3A_213 : vector<16xi32>
    }
    %scan3A_15 = arith.constant 16 : i32
    %scan3A_16 = arith.constant 0 : i32
    %scan3A_17 = arith.constant 16 : i32
    %scan3A_18 = arith.addi %scan3A_16, %scan3A_17 : i32
    %scan3A_19 = arith.constant 1 : i32
    %scan3A_20 = scf.for %scan3A_200 = %scan3A_16 to %scan3A_18 step %scan3A_19 iter_args(%scan3A_201 = %scan3A_14) -> (vector<16xi32>)  : i32 {
      %add3A_202 = arith.constant 0 : i32
      %add3A_203 = vector.broadcast %add3A_202 : i32 to vector<16xi32>
      %add3A_204 = arith.addi %add3A_203, %iota3A : vector<16xi32>
      %mul3A_205 = arith.constant 16 : i32
      %mul3A_206 = vector.broadcast %mul3A_205 : i32 to vector<16xi32>
      %mul3A_207 = arith.muli %add3A_204, %mul3A_206 : vector<16xi32>
      %add3A_208 = arith.constant 1024 : i32
      %add3A_209 = vector.broadcast %add3A_208 : i32 to vector<16xi32>
      %add3A_210 = arith.addi %add3A_209, %mul3A_207 : vector<16xi32>
      %add3A_211 = vector.broadcast %scan3A_200 : i32 to vector<16xi32>
      %add3A_212 = arith.addi %add3A_210, %add3A_211 : vector<16xi32>
      %gather3A = tpu.vector_load_idx %arg11[%add3A_212] : memref<4096xi32, #tpu.memory_space<vmem>>[vector<16xi32>], vector<16xi32>,
      %add3A_213 = arith.addi %scan3A_201, %gather3A : vector<16xi32>
      scf.yield %add3A_213 : vector<16xi32>
    }
    %scan3A_21 = arith.constant 16 : i32
    %scan3A_22 = arith.constant 0 : i32
    %scan3A_23 = arith.constant 16 : i32
    %scan3A_24 = arith.addi %scan3A_22, %scan3A_23 : i32
    %scan3A_25 = arith.constant 1 : i32
    %scan3A_26 = scf.for %scan3A_200 = %scan3A_22 to %scan3A_24 step %scan3A_25 iter_args(%scan3A_201 = %scan3A_20) -> (vector<16xi32>)  : i32 {
      %add3A_202 = arith.constant 0 : i32
      %add3A_203 = vector.broadcast %add3A_202 : i32 to vector<16xi32>
      %add3A_204 = arith.addi %add3A_203, %iota3A : vector<16xi32>
      %mul3A_205 = arith.constant 16 : i32
      %mul3A_206 = vector.broadcast %mul3A_205 : i32 to vector<16xi32>
      %mul3A_207 = arith.muli %add3A_204, %mul3A_206 : vector<16xi32>
      %add3A_208 = arith.constant 2048 : i32
      %add3A_209 = vector.broadcast %add3A_208 : i32 to vector<16xi32>
      %add3A_210 = arith.addi %add3A_209, %mul3A_207 : vector<16xi32>
      %add3A_211 = vector.broadcast %scan3A_200 : i32 to vector<16xi32>
      %add3A_212 = arith.addi %add3A_210, %add3A_211 : vector<16xi32>
      %gather3A = tpu.vector_load_idx %arg11[%add3A_212] : memref<4096xi32, #tpu.memory_space<vmem>>[vector<16xi32>], vector<16xi32>,
      %add3A_213 = arith.addi %scan3A_201, %gather3A : vector<16xi32>
      scf.yield %add3A_213 : vector<16xi32>
    }
    %scan3A_27 = arith.constant 16 : i32
    %scan3A_28 = arith.constant 0 : i32
    %scan3A_29 = arith.constant 16 : i32
    %scan3A_30 = arith.addi %scan3A_28, %scan3A_29 : i32
    %scan3A_31 = arith.constant 1 : i32
    %scan3A_32 = scf.for %scan3A_200 = %scan3A_28 to %scan3A_30 step %scan3A_31 iter_args(%scan3A_201 = %scan3A_26) -> (vector<16xi32>)  : i32 {
      %add3A_202 = arith.constant 0 : i32
      %add3A_203 = vector.broadcast %add3A_202 : i32 to vector<16xi32>
      %add3A_204 = arith.addi %add3A_203, %iota3A : vector<16xi32>
      %mul3A_205 = arith.constant 16 : i32
      %mul3A_206 = vector.broadcast %mul3A_205 : i32 to vector<16xi32>
      %mul3A_207 = arith.muli %add3A_204, %mul3A_206 : vector<16xi32>
      %add3A_208 = arith.constant 3072 : i32
      %add3A_209 = vector.broadcast %add3A_208 : i32 to vector<16xi32>
      %add3A_210 = arith.addi %add3A_209, %mul3A_207 : vector<16xi32>
      %add3A_211 = vector.broadcast %scan3A_200 : i32 to vector<16xi32>
      %add3A_212 = arith.addi %add3A_210, %add3A_211 : vector<16xi32>
      %gather3A = tpu.vector_load_idx %arg11[%add3A_212] : memref<4096xi32, #tpu.memory_space<vmem>>[vector<16xi32>], vector<16xi32>,
      %add3A_213 = arith.addi %scan3A_201, %gather3A : vector<16xi32>
      scf.yield %add3A_213 : vector<16xi32>
    }
    %scan3A_33 = arith.constant 16 : i32
    %swap3A = arith.constant 0 : index
    %swap3A_34 = tpu.vector_load %arg13[%swap3A] {strides = array<i32>} : memref<64xi32, #tpu.memory_space<vmem>>, vector<16xi32>,
    tpu.vector_store %arg13[%swap3A], %scan3A_32 {strides = array<i32>} : memref<64xi32, #tpu.memory_space<vmem>>, vector<16xi32>,
    %scan3A_35 = arith.constant 0 : i32
    %scan3A_36 = arith.constant 16 : i32
    %scan3A_37 = arith.addi %scan3A_35, %scan3A_36 : i32
    %scan3A_38 = arith.constant 1 : i32
    %scan3A_39 = scf.for %scan3A_200 = %scan3A_35 to %scan3A_37 step %scan3A_38 iter_args(%scan3A_201 = %broadcast_in_dim3A_0) -> (vector<16xi32>)  : i32 {
      %add3A_202 = arith.constant 16 : i32
      %add3A_203 = vector.broadcast %add3A_202 : i32 to vector<16xi32>
      %add3A_204 = arith.addi %add3A_203, %iota3A : vector<16xi32>
      %mul3A_205 = arith.constant 16 : i32
      %mul3A_206 = vector.broadcast %mul3A_205 : i32 to vector<16xi32>
      %mul3A_207 = arith.muli %add3A_204, %mul3A_206 : vector<16xi32>
      %add3A_208 = arith.constant 0 : i32
      %add3A_209 = vector.broadcast %add3A_208 : i32 to vector<16xi32>
      %add3A_210 = arith.addi %add3A_209, %mul3A_207 : vector<16xi32>
      %add3A_211 = vector.broadcast %scan3A_200 : i32 to vector<16xi32>
      %add3A_212 = arith.addi %add3A_210, %add3A_211 : vector<16xi32>
      %gather3A = tpu.vector_load_idx %arg11[%add3A_212] : memref<4096xi32, #tpu.memory_space<vmem>>[vector<16xi32>], vector<16xi32>,
      %add3A_213 = arith.addi %scan3A_201, %gather3A : vector<16xi32>
      scf.yield %add3A_213 : vector<16xi32>
    }
    %scan3A_40 = arith.constant 16 : i32
    %scan3A_41 = arith.constant 0 : i32
    %scan3A_42 = arith.constant 16 : i32
    %scan3A_43 = arith.addi %scan3A_41, %scan3A_42 : i32
    %scan3A_44 = arith.constant 1 : i32
    %scan3A_45 = scf.for %scan3A_200 = %scan3A_41 to %scan3A_43 step %scan3A_44 iter_args(%scan3A_201 = %scan3A_39) -> (vector<16xi32>)  : i32 {
      %add3A_202 = arith.constant 16 : i32
      %add3A_203 = vector.broadcast %add3A_202 : i32 to vector<16xi32>
      %add3A_204 = arith.addi %add3A_203, %iota3A : vector<16xi32>
      %mul3A_205 = arith.constant 16 : i32
      %mul3A_206 = vector.broadcast %mul3A_205 : i32 to vector<16xi32>
      %mul3A_207 = arith.muli %add3A_204, %mul3A_206 : vector<16xi32>
      %add3A_208 = arith.constant 1024 : i32
      %add3A_209 = vector.broadcast %add3A_208 : i32 to vector<16xi32>
      %add3A_210 = arith.addi %add3A_209, %mul3A_207 : vector<16xi32>
      %add3A_211 = vector.broadcast %scan3A_200 : i32 to vector<16xi32>
      %add3A_212 = arith.addi %add3A_210, %add3A_211 : vector<16xi32>
      %gather3A = tpu.vector_load_idx %arg11[%add3A_212] : memref<4096xi32, #tpu.memory_space<vmem>>[vector<16xi32>], vector<16xi32>,
      %add3A_213 = arith.addi %scan3A_201, %gather3A : vector<16xi32>
      scf.yield %add3A_213 : vector<16xi32>
    }
    %scan3A_46 = arith.constant 16 : i32
    %scan3A_47 = arith.constant 0 : i32
    %scan3A_48 = arith.constant 16 : i32
    %scan3A_49 = arith.addi %scan3A_47, %scan3A_48 : i32
    %scan3A_50 = arith.constant 1 : i32
    %scan3A_51 = scf.for %scan3A_200 = %scan3A_47 to %scan3A_49 step %scan3A_50 iter_args(%scan3A_201 = %scan3A_45) -> (vector<16xi32>)  : i32 {
      %add3A_202 = arith.constant 16 : i32
      %add3A_203 = vector.broadcast %add3A_202 : i32 to vector<16xi32>
      %add3A_204 = arith.addi %add3A_203, %iota3A : vector<16xi32>
      %mul3A_205 = arith.constant 16 : i32
      %mul3A_206 = vector.broadcast %mul3A_205 : i32 to vector<16xi32>
      %mul3A_207 = arith.muli %add3A_204, %mul3A_206 : vector<16xi32>
      %add3A_208 = arith.constant 2048 : i32
      %add3A_209 = vector.broadcast %add3A_208 : i32 to vector<16xi32>
      %add3A_210 = arith.addi %add3A_209, %mul3A_207 : vector<16xi32>
      %add3A_211 = vector.broadcast %scan3A_200 : i32 to vector<16xi32>
      %add3A_212 = arith.addi %add3A_210, %add3A_211 : vector<16xi32>
      %gather3A = tpu.vector_load_idx %arg11[%add3A_212] : memref<4096xi32, #tpu.memory_space<vmem>>[vector<16xi32>], vector<16xi32>,
      %add3A_213 = arith.addi %scan3A_201, %gather3A : vector<16xi32>
      scf.yield %add3A_213 : vector<16xi32>
    }
    %scan3A_52 = arith.constant 16 : i32
    %scan3A_53 = arith.constant 0 : i32
    %scan3A_54 = arith.constant 16 : i32
    %scan3A_55 = arith.addi %scan3A_53, %scan3A_54 : i32
    %scan3A_56 = arith.constant 1 : i32
    %scan3A_57 = scf.for %scan3A_200 = %scan3A_53 to %scan3A_55 step %scan3A_56 iter_args(%scan3A_201 = %scan3A_51) -> (vector<16xi32>)  : i32 {
      %add3A_202 = arith.constant 16 : i32
      %add3A_203 = vector.broadcast %add3A_202 : i32 to vector<16xi32>
      %add3A_204 = arith.addi %add3A_203, %iota3A : vector<16xi32>
      %mul3A_205 = arith.constant 16 : i32
      %mul3A_206 = vector.broadcast %mul3A_205 : i32 to vector<16xi32>
      %mul3A_207 = arith.muli %add3A_204, %mul3A_206 : vector<16xi32>
      %add3A_208 = arith.constant 3072 : i32
      %add3A_209 = vector.broadcast %add3A_208 : i32 to vector<16xi32>
      %add3A_210 = arith.addi %add3A_209, %mul3A_207 : vector<16xi32>
      %add3A_211 = vector.broadcast %scan3A_200 : i32 to vector<16xi32>
      %add3A_212 = arith.addi %add3A_210, %add3A_211 : vector<16xi32>
      %gather3A = tpu.vector_load_idx %arg11[%add3A_212] : memref<4096xi32, #tpu.memory_space<vmem>>[vector<16xi32>], vector<16xi32>,
      %add3A_213 = arith.addi %scan3A_201, %gather3A : vector<16xi32>
      scf.yield %add3A_213 : vector<16xi32>
    }
    %scan3A_58 = arith.constant 16 : i32
    %swap3A_59 = arith.constant 16 : index
    %swap3A_60 = tpu.vector_load %arg13[%swap3A_59] {strides = array<i32>} : memref<64xi32, #tpu.memory_space<vmem>>, vector<16xi32>,
    tpu.vector_store %arg13[%swap3A_59], %scan3A_57 {strides = array<i32>} : memref<64xi32, #tpu.memory_space<vmem>>, vector<16xi32>,
    %scan3A_61 = arith.constant 0 : i32
    %scan3A_62 = arith.constant 16 : i32
    %scan3A_63 = arith.addi %scan3A_61, %scan3A_62 : i32
    %scan3A_64 = arith.constant 1 : i32
    %scan3A_65 = scf.for %scan3A_200 = %scan3A_61 to %scan3A_63 step %scan3A_64 iter_args(%scan3A_201 = %broadcast_in_dim3A_0) -> (vector<16xi32>)  : i32 {
      %add3A_202 = arith.constant 32 : i32
      %add3A_203 = vector.broadcast %add3A_202 : i32 to vector<16xi32>
      %add3A_204 = arith.addi %add3A_203, %iota3A : vector<16xi32>
      %mul3A_205 = arith.constant 16 : i32
      %mul3A_206 = vector.broadcast %mul3A_205 : i32 to vector<16xi32>
      %mul3A_207 = arith.muli %add3A_204, %mul3A_206 : vector<16xi32>
      %add3A_208 = arith.constant 0 : i32
      %add3A_209 = vector.broadcast %add3A_208 : i32 to vector<16xi32>
      %add3A_210 = arith.addi %add3A_209, %mul3A_207 : vector<16xi32>
      %add3A_211 = vector.broadcast %scan3A_200 : i32 to vector<16xi32>
      %add3A_212 = arith.addi %add3A_210, %add3A_211 : vector<16xi32>
      %gather3A = tpu.vector_load_idx %arg11[%add3A_212] : memref<4096xi32, #tpu.memory_space<vmem>>[vector<16xi32>], vector<16xi32>,
      %add3A_213 = arith.addi %scan3A_201, %gather3A : vector<16xi32>
      scf.yield %add3A_213 : vector<16xi32>
    }
    %scan3A_66 = arith.constant 16 : i32
    %scan3A_67 = arith.constant 0 : i32
    %scan3A_68 = arith.constant 16 : i32
    %scan3A_69 = arith.addi %scan3A_67, %scan3A_68 : i32
    %scan3A_70 = arith.constant 1 : i32
    %scan3A_71 = scf.for %scan3A_200 = %scan3A_67 to %scan3A_69 step %scan3A_70 iter_args(%scan3A_201 = %scan3A_65) -> (vector<16xi32>)  : i32 {
      %add3A_202 = arith.constant 32 : i32
      %add3A_203 = vector.broadcast %add3A_202 : i32 to vector<16xi32>
      %add3A_204 = arith.addi %add3A_203, %iota3A : vector<16xi32>
      %mul3A_205 = arith.constant 16 : i32
      %mul3A_206 = vector.broadcast %mul3A_205 : i32 to vector<16xi32>
      %mul3A_207 = arith.muli %add3A_204, %mul3A_206 : vector<16xi32>
      %add3A_208 = arith.constant 1024 : i32
      %add3A_209 = vector.broadcast %add3A_208 : i32 to vector<16xi32>
      %add3A_210 = arith.addi %add3A_209, %mul3A_207 : vector<16xi32>
      %add3A_211 = vector.broadcast %scan3A_200 : i32 to vector<16xi32>
      %add3A_212 = arith.addi %add3A_210, %add3A_211 : vector<16xi32>
      %gather3A = tpu.vector_load_idx %arg11[%add3A_212] : memref<4096xi32, #tpu.memory_space<vmem>>[vector<16xi32>], vector<16xi32>,
      %add3A_213 = arith.addi %scan3A_201, %gather3A : vector<16xi32>
      scf.yield %add3A_213 : vector<16xi32>
    }
    %scan3A_72 = arith.constant 16 : i32
    %scan3A_73 = arith.constant 0 : i32
    %scan3A_74 = arith.constant 16 : i32
    %scan3A_75 = arith.addi %scan3A_73, %scan3A_74 : i32
    %scan3A_76 = arith.constant 1 : i32
    %scan3A_77 = scf.for %scan3A_200 = %scan3A_73 to %scan3A_75 step %scan3A_76 iter_args(%scan3A_201 = %scan3A_71) -> (vector<16xi32>)  : i32 {
      %add3A_202 = arith.constant 32 : i32
      %add3A_203 = vector.broadcast %add3A_202 : i32 to vector<16xi32>
      %add3A_204 = arith.addi %add3A_203, %iota3A : vector<16xi32>
      %mul3A_205 = arith.constant 16 : i32
      %mul3A_206 = vector.broadcast %mul3A_205 : i32 to vector<16xi32>
      %mul3A_207 = arith.muli %add3A_204, %mul3A_206 : vector<16xi32>
      %add3A_208 = arith.constant 2048 : i32
      %add3A_209 = vector.broadcast %add3A_208 : i32 to vector<16xi32>
      %add3A_210 = arith.addi %add3A_209, %mul3A_207 : vector<16xi32>
      %add3A_211 = vector.broadcast %scan3A_200 : i32 to vector<16xi32>
      %add3A_212 = arith.addi %add3A_210, %add3A_211 : vector<16xi32>
      %gather3A = tpu.vector_load_idx %arg11[%add3A_212] : memref<4096xi32, #tpu.memory_space<vmem>>[vector<16xi32>], vector<16xi32>,
      %add3A_213 = arith.addi %scan3A_201, %gather3A : vector<16xi32>
      scf.yield %add3A_213 : vector<16xi32>
    }
    %scan3A_78 = arith.constant 16 : i32
    %scan3A_79 = arith.constant 0 : i32
    %scan3A_80 = arith.constant 16 : i32
    %scan3A_81 = arith.addi %scan3A_79, %scan3A_80 : i32
    %scan3A_82 = arith.constant 1 : i32
    %scan3A_83 = scf.for %scan3A_200 = %scan3A_79 to %scan3A_81 step %scan3A_82 iter_args(%scan3A_201 = %scan3A_77) -> (vector<16xi32>)  : i32 {
      %add3A_202 = arith.constant 32 : i32
      %add3A_203 = vector.broadcast %add3A_202 : i32 to vector<16xi32>
      %add3A_204 = arith.addi %add3A_203, %iota3A : vector<16xi32>
      %mul3A_205 = arith.constant 16 : i32
      %mul3A_206 = vector.broadcast %mul3A_205 : i32 to vector<16xi32>
      %mul3A_207 = arith.muli %add3A_204, %mul3A_206 : vector<16xi32>
      %add3A_208 = arith.constant 3072 : i32
      %add3A_209 = vector.broadcast %add3A_208 : i32 to vector<16xi32>
      %add3A_210 = arith.addi %add3A_209, %mul3A_207 : vector<16xi32>
      %add3A_211 = vector.broadcast %scan3A_200 : i32 to vector<16xi32>
      %add3A_212 = arith.addi %add3A_210, %add3A_211 : vector<16xi32>
      %gather3A = tpu.vector_load_idx %arg11[%add3A_212] : memref<4096xi32, #tpu.memory_space<vmem>>[vector<16xi32>], vector<16xi32>,
      %add3A_213 = arith.addi %scan3A_201, %gather3A : vector<16xi32>
      scf.yield %add3A_213 : vector<16xi32>
    }
    %scan3A_84 = arith.constant 16 : i32
    %swap3A_85 = arith.constant 32 : index
    %swap3A_86 = tpu.vector_load %arg13[%swap3A_85] {strides = array<i32>} : memref<64xi32, #tpu.memory_space<vmem>>, vector<16xi32>,
    tpu.vector_store %arg13[%swap3A_85], %scan3A_83 {strides = array<i32>} : memref<64xi32, #tpu.memory_space<vmem>>, vector<16xi32>,
    %scan3A_87 = arith.constant 0 : i32
    %scan3A_88 = arith.constant 16 : i32
    %scan3A_89 = arith.addi %scan3A_87, %scan3A_88 : i32
    %scan3A_90 = arith.constant 1 : i32
    %scan3A_91 = scf.for %scan3A_200 = %scan3A_87 to %scan3A_89 step %scan3A_90 iter_args(%scan3A_201 = %broadcast_in_dim3A_0) -> (vector<16xi32>)  : i32 {
      %add3A_202 = arith.constant 48 : i32
      %add3A_203 = vector.broadcast %add3A_202 : i32 to vector<16xi32>
      %add3A_204 = arith.addi %add3A_203, %iota3A : vector<16xi32>
      %mul3A_205 = arith.constant 16 : i32
      %mul3A_206 = vector.broadcast %mul3A_205 : i32 to vector<16xi32>
      %mul3A_207 = arith.muli %add3A_204, %mul3A_206 : vector<16xi32>
      %add3A_208 = arith.constant 0 : i32
      %add3A_209 = vector.broadcast %add3A_208 : i32 to vector<16xi32>
      %add3A_210 = arith.addi %add3A_209, %mul3A_207 : vector<16xi32>
      %add3A_211 = vector.broadcast %scan3A_200 : i32 to vector<16xi32>
      %add3A_212 = arith.addi %add3A_210, %add3A_211 : vector<16xi32>
      %gather3A = tpu.vector_load_idx %arg11[%add3A_212] : memref<4096xi32, #tpu.memory_space<vmem>>[vector<16xi32>], vector<16xi32>,
      %add3A_213 = arith.addi %scan3A_201, %gather3A : vector<16xi32>
      scf.yield %add3A_213 : vector<16xi32>
    }
    %scan3A_92 = arith.constant 16 : i32
    %scan3A_93 = arith.constant 0 : i32
    %scan3A_94 = arith.constant 16 : i32
    %scan3A_95 = arith.addi %scan3A_93, %scan3A_94 : i32
    %scan3A_96 = arith.constant 1 : i32
    %scan3A_97 = scf.for %scan3A_200 = %scan3A_93 to %scan3A_95 step %scan3A_96 iter_args(%scan3A_201 = %scan3A_91) -> (vector<16xi32>)  : i32 {
      %add3A_202 = arith.constant 48 : i32
      %add3A_203 = vector.broadcast %add3A_202 : i32 to vector<16xi32>
      %add3A_204 = arith.addi %add3A_203, %iota3A : vector<16xi32>
      %mul3A_205 = arith.constant 16 : i32
      %mul3A_206 = vector.broadcast %mul3A_205 : i32 to vector<16xi32>
      %mul3A_207 = arith.muli %add3A_204, %mul3A_206 : vector<16xi32>
      %add3A_208 = arith.constant 1024 : i32
      %add3A_209 = vector.broadcast %add3A_208 : i32 to vector<16xi32>
      %add3A_210 = arith.addi %add3A_209, %mul3A_207 : vector<16xi32>
      %add3A_211 = vector.broadcast %scan3A_200 : i32 to vector<16xi32>
      %add3A_212 = arith.addi %add3A_210, %add3A_211 : vector<16xi32>
      %gather3A = tpu.vector_load_idx %arg11[%add3A_212] : memref<4096xi32, #tpu.memory_space<vmem>>[vector<16xi32>], vector<16xi32>,
      %add3A_213 = arith.addi %scan3A_201, %gather3A : vector<16xi32>
      scf.yield %add3A_213 : vector<16xi32>
    }
    %scan3A_98 = arith.constant 16 : i32
    %scan3A_99 = arith.constant 0 : i32
    %scan3A_100 = arith.constant 16 : i32
    %scan3A_101 = arith.addi %scan3A_99, %scan3A_100 : i32
    %scan3A_102 = arith.constant 1 : i32
    %scan3A_103 = scf.for %scan3A_200 = %scan3A_99 to %scan3A_101 step %scan3A_102 iter_args(%scan3A_201 = %scan3A_97) -> (vector<16xi32>)  : i32 {
      %add3A_202 = arith.constant 48 : i32
      %add3A_203 = vector.broadcast %add3A_202 : i32 to vector<16xi32>
      %add3A_204 = arith.addi %add3A_203, %iota3A : vector<16xi32>
      %mul3A_205 = arith.constant 16 : i32
      %mul3A_206 = vector.broadcast %mul3A_205 : i32 to vector<16xi32>
      %mul3A_207 = arith.muli %add3A_204, %mul3A_206 : vector<16xi32>
      %add3A_208 = arith.constant 2048 : i32
      %add3A_209 = vector.broadcast %add3A_208 : i32 to vector<16xi32>
      %add3A_210 = arith.addi %add3A_209, %mul3A_207 : vector<16xi32>
      %add3A_211 = vector.broadcast %scan3A_200 : i32 to vector<16xi32>
      %add3A_212 = arith.addi %add3A_210, %add3A_211 : vector<16xi32>
      %gather3A = tpu.vector_load_idx %arg11[%add3A_212] : memref<4096xi32, #tpu.memory_space<vmem>>[vector<16xi32>], vector<16xi32>,
      %add3A_213 = arith.addi %scan3A_201, %gather3A : vector<16xi32>
      scf.yield %add3A_213 : vector<16xi32>
    }
    %scan3A_104 = arith.constant 16 : i32
    %scan3A_105 = arith.constant 0 : i32
    %scan3A_106 = arith.constant 16 : i32
    %scan3A_107 = arith.addi %scan3A_105, %scan3A_106 : i32
    %scan3A_108 = arith.constant 1 : i32
    %scan3A_109 = scf.for %scan3A_200 = %scan3A_105 to %scan3A_107 step %scan3A_108 iter_args(%scan3A_201 = %scan3A_103) -> (vector<16xi32>)  : i32 {
      %add3A_202 = arith.constant 48 : i32
      %add3A_203 = vector.broadcast %add3A_202 : i32 to vector<16xi32>
      %add3A_204 = arith.addi %add3A_203, %iota3A : vector<16xi32>
      %mul3A_205 = arith.constant 16 : i32
      %mul3A_206 = vector.broadcast %mul3A_205 : i32 to vector<16xi32>
      %mul3A_207 = arith.muli %add3A_204, %mul3A_206 : vector<16xi32>
      %add3A_208 = arith.constant 3072 : i32
      %add3A_209 = vector.broadcast %add3A_208 : i32 to vector<16xi32>
      %add3A_210 = arith.addi %add3A_209, %mul3A_207 : vector<16xi32>
      %add3A_211 = vector.broadcast %scan3A_200 : i32 to vector<16xi32>
      %add3A_212 = arith.addi %add3A_210, %add3A_211 : vector<16xi32>
      %gather3A = tpu.vector_load_idx %arg11[%add3A_212] : memref<4096xi32, #tpu.memory_space<vmem>>[vector<16xi32>], vector<16xi32>,
      %add3A_213 = arith.addi %scan3A_201, %gather3A : vector<16xi32>
      scf.yield %add3A_213 : vector<16xi32>
    }
    %scan3A_110 = arith.constant 16 : i32
    %swap3A_111 = arith.constant 48 : index
    %swap3A_112 = tpu.vector_load %arg13[%swap3A_111] {strides = array<i32>} : memref<64xi32, #tpu.memory_space<vmem>>, vector<16xi32>,
    tpu.vector_store %arg13[%swap3A_111], %scan3A_109 {strides = array<i32>} : memref<64xi32, #tpu.memory_space<vmem>>, vector<16xi32>,
    "tpu.region"() ({
      %run_scoped3A_200 = tpu.sem_alloc : memref<!tpu.dma_semaphore, #tpu.memory_space<semaphore_mem>>
      %dma_start3A_201 = arith.constant 0 : i32
      %dma_start3A_202 = tpu.memref_slice %arg20[%arg1, %dma_start3A_201] : memref<16x64xi32, #tpu.memory_space<vmem_shared>> -> memref<1x64xi32, #tpu.memory_space<vmem_shared>>
      %dma_start3A_203 = tpu.memref_squeeze %dma_start3A_202 : memref<1x64xi32, #tpu.memory_space<vmem_shared>> -> memref<64xi32, #tpu.memory_space<vmem_shared>>
      %dma_start3A_204 = arith.constant 0 : i32
      %dma_start3A_205 = tpu.memref_slice %arg20[%arg1, %dma_start3A_204] : memref<16x64xi32, #tpu.memory_space<vmem_shared>> -> memref<1x64xi32, #tpu.memory_space<vmem_shared>>
      %dma_start3A_206 = tpu.memref_squeeze %dma_start3A_205 : memref<1x64xi32, #tpu.memory_space<vmem_shared>> -> memref<64xi32, #tpu.memory_space<vmem_shared>>
      tpu.enqueue_dma source(%arg13 : memref<64xi32, #tpu.memory_space<vmem>>) target(%dma_start3A_206 : memref<64xi32, #tpu.memory_space<vmem_shared>>) target_semaphore(%run_scoped3A_200 : memref<!tpu.dma_semaphore, #tpu.memory_space<semaphore_mem>>)
      %dma_wait3A_207 = arith.constant 0 : i32
      %dma_wait3A_208 = tpu.memref_slice %arg20[%arg1, %dma_wait3A_207] : memref<16x64xi32, #tpu.memory_space<vmem_shared>> -> memref<1x64xi32, #tpu.memory_space<vmem_shared>>
      %dma_wait3A_209 = tpu.memref_squeeze %dma_wait3A_208 : memref<1x64xi32, #tpu.memory_space<vmem_shared>> -> memref<64xi32, #tpu.memory_space<vmem_shared>>
      %dma_wait3A_210 = arith.constant 0 : i32
      %dma_wait3A_211 = tpu.memref_slice %arg20[%arg1, %dma_wait3A_210] : memref<16x64xi32, #tpu.memory_space<vmem_shared>> -> memref<1x64xi32, #tpu.memory_space<vmem_shared>>
      %dma_wait3A_212 = tpu.memref_squeeze %dma_wait3A_211 : memref<1x64xi32, #tpu.memory_space<vmem_shared>> -> memref<64xi32, #tpu.memory_space<vmem_shared>>
      tpu.wait_dma2 semaphore(%run_scoped3A_200 : memref<!tpu.dma_semaphore, #tpu.memory_space<semaphore_mem>>) src(%arg13 : memref<64xi32, #tpu.memory_space<vmem>>) dst(%dma_wait3A_212 : memref<64xi32, #tpu.memory_space<vmem_shared>>)
      tpu.yield
    }) : () -> ()
    %barrier3A = arith.constant 0 : index
    tpu.barrier barrier_id(%barrier3A)
    "tpu.region"() ({
      %run_scoped3A_200 = tpu.sem_alloc : memref<!tpu.dma_semaphore, #tpu.memory_space<semaphore_mem>>
      tpu.enqueue_dma source(%arg20 : memref<16x64xi32, #tpu.memory_space<vmem_shared>>) target(%arg15 : memref<16x64xi32, #tpu.memory_space<vmem>>) target_semaphore(%run_scoped3A_200 : memref<!tpu.dma_semaphore, #tpu.memory_space<semaphore_mem>>)
      tpu.wait_dma2 semaphore(%run_scoped3A_200 : memref<!tpu.dma_semaphore, #tpu.memory_space<semaphore_mem>>) src(%arg20 : memref<16x64xi32, #tpu.memory_space<vmem_shared>>) dst(%arg15 : memref<16x64xi32, #tpu.memory_space<vmem>>)
      tpu.yield
    }) : () -> ()
    %scan3A_113 = arith.constant 0 : i32
    %scan3A_114 = arith.constant 16 : i32
    %scan3A_115 = arith.addi %scan3A_113, %scan3A_114 : i32
    %scan3A_116 = arith.constant 1 : i32
    %scan3A_117 = scf.for %scan3A_200 = %scan3A_113 to %scan3A_115 step %scan3A_116 iter_args(%scan3A_201 = %broadcast_in_dim3A_0) -> (vector<16xi32>)  : i32 {
      %get3A_202 = arith.index_cast %scan3A_200 : i32 to index
      %get3A_203 = arith.constant 0 : index
      %get3A_204 = tpu.vector_load %arg15[%get3A_202, %get3A_203] {strides = array<i32>} : memref<16x64xi32, #tpu.memory_space<vmem>>, vector<16xi32>,
      %lt3A = arith.cmpi slt, %scan3A_200, %arg1 : i32
      %convert_element_type3A = arith.extui %lt3A : i1 to i32
      %mul3A_205 = vector.broadcast %convert_element_type3A : i32 to vector<16xi32>
      %mul3A_206 = arith.muli %get3A_204, %mul3A_205 : vector<16xi32>
      %add3A_207 = arith.addi %scan3A_201, %mul3A_206 : vector<16xi32>
      scf.yield %add3A_207 : vector<16xi32>
    }
    %scan3A_118 = arith.constant 16 : i32
    %swap3A_119 = arith.constant 0 : index
    %swap3A_120 = tpu.vector_load %arg14[%swap3A_119] {strides = array<i32>} : memref<64xi32, #tpu.memory_space<vmem>>, vector<16xi32>,
    tpu.vector_store %arg14[%swap3A_119], %scan3A_117 {strides = array<i32>} : memref<64xi32, #tpu.memory_space<vmem>>, vector<16xi32>,
    %scan3A_121 = arith.constant 0 : i32
    %scan3A_122 = arith.constant 16 : i32
    %scan3A_123 = arith.addi %scan3A_121, %scan3A_122 : i32
    %scan3A_124 = arith.constant 1 : i32
    %scan3A_125 = scf.for %scan3A_200 = %scan3A_121 to %scan3A_123 step %scan3A_124 iter_args(%scan3A_201 = %broadcast_in_dim3A_0) -> (vector<16xi32>)  : i32 {
      %get3A_202 = arith.index_cast %scan3A_200 : i32 to index
      %get3A_203 = arith.constant 16 : index
      %get3A_204 = tpu.vector_load %arg15[%get3A_202, %get3A_203] {strides = array<i32>} : memref<16x64xi32, #tpu.memory_space<vmem>>, vector<16xi32>,
      %lt3A = arith.cmpi slt, %scan3A_200, %arg1 : i32
      %convert_element_type3A = arith.extui %lt3A : i1 to i32
      %mul3A_205 = vector.broadcast %convert_element_type3A : i32 to vector<16xi32>
      %mul3A_206 = arith.muli %get3A_204, %mul3A_205 : vector<16xi32>
      %add3A_207 = arith.addi %scan3A_201, %mul3A_206 : vector<16xi32>
      scf.yield %add3A_207 : vector<16xi32>
    }
    %scan3A_126 = arith.constant 16 : i32
    %swap3A_127 = arith.constant 16 : index
    %swap3A_128 = tpu.vector_load %arg14[%swap3A_127] {strides = array<i32>} : memref<64xi32, #tpu.memory_space<vmem>>, vector<16xi32>,
    tpu.vector_store %arg14[%swap3A_127], %scan3A_125 {strides = array<i32>} : memref<64xi32, #tpu.memory_space<vmem>>, vector<16xi32>,
    %scan3A_129 = arith.constant 0 : i32
    %scan3A_130 = arith.constant 16 : i32
    %scan3A_131 = arith.addi %scan3A_129, %scan3A_130 : i32
    %scan3A_132 = arith.constant 1 : i32
    %scan3A_133 = scf.for %scan3A_200 = %scan3A_129 to %scan3A_131 step %scan3A_132 iter_args(%scan3A_201 = %broadcast_in_dim3A_0) -> (vector<16xi32>)  : i32 {
      %get3A_202 = arith.index_cast %scan3A_200 : i32 to index
      %get3A_203 = arith.constant 32 : index
      %get3A_204 = tpu.vector_load %arg15[%get3A_202, %get3A_203] {strides = array<i32>} : memref<16x64xi32, #tpu.memory_space<vmem>>, vector<16xi32>,
      %lt3A = arith.cmpi slt, %scan3A_200, %arg1 : i32
      %convert_element_type3A = arith.extui %lt3A : i1 to i32
      %mul3A_205 = vector.broadcast %convert_element_type3A : i32 to vector<16xi32>
      %mul3A_206 = arith.muli %get3A_204, %mul3A_205 : vector<16xi32>
      %add3A_207 = arith.addi %scan3A_201, %mul3A_206 : vector<16xi32>
      scf.yield %add3A_207 : vector<16xi32>
    }
    %scan3A_134 = arith.constant 16 : i32
    %swap3A_135 = arith.constant 32 : index
    %swap3A_136 = tpu.vector_load %arg14[%swap3A_135] {strides = array<i32>} : memref<64xi32, #tpu.memory_space<vmem>>, vector<16xi32>,
    tpu.vector_store %arg14[%swap3A_135], %scan3A_133 {strides = array<i32>} : memref<64xi32, #tpu.memory_space<vmem>>, vector<16xi32>,
    %scan3A_137 = arith.constant 0 : i32
    %scan3A_138 = arith.constant 16 : i32
    %scan3A_139 = arith.addi %scan3A_137, %scan3A_138 : i32
    %scan3A_140 = arith.constant 1 : i32
    %scan3A_141 = scf.for %scan3A_200 = %scan3A_137 to %scan3A_139 step %scan3A_140 iter_args(%scan3A_201 = %broadcast_in_dim3A_0) -> (vector<16xi32>)  : i32 {
      %get3A_202 = arith.index_cast %scan3A_200 : i32 to index
      %get3A_203 = arith.constant 48 : index
      %get3A_204 = tpu.vector_load %arg15[%get3A_202, %get3A_203] {strides = array<i32>} : memref<16x64xi32, #tpu.memory_space<vmem>>, vector<16xi32>,
      %lt3A = arith.cmpi slt, %scan3A_200, %arg1 : i32
      %convert_element_type3A = arith.extui %lt3A : i1 to i32
      %mul3A_205 = vector.broadcast %convert_element_type3A : i32 to vector<16xi32>
      %mul3A_206 = arith.muli %get3A_204, %mul3A_205 : vector<16xi32>
      %add3A_207 = arith.addi %scan3A_201, %mul3A_206 : vector<16xi32>
      scf.yield %add3A_207 : vector<16xi32>
    }
    %scan3A_142 = arith.constant 16 : i32
    %swap3A_143 = arith.constant 48 : index
    %swap3A_144 = tpu.vector_load %arg14[%swap3A_143] {strides = array<i32>} : memref<64xi32, #tpu.memory_space<vmem>>, vector<16xi32>,
    tpu.vector_store %arg14[%swap3A_143], %scan3A_141 {strides = array<i32>} : memref<64xi32, #tpu.memory_space<vmem>>, vector<16xi32>,
    %scan3A_145 = arith.constant 0 : i32
    %scan3A_146 = arith.constant 0 : i32
    %scan3A_147 = arith.constant 64 : i32
    %scan3A_148 = arith.addi %scan3A_146, %scan3A_147 : i32
    %scan3A_149 = arith.constant 1 : i32
    scf.for %scan3A_200 = %scan3A_146 to %scan3A_148 step %scan3A_149  : i32 {
      %broadcast_in_dim3A_201 = arith.constant 0 : i32
      %broadcast_in_dim3A_202 = vector.broadcast %broadcast_in_dim3A_201 : i32 to vector<16xi32>
      %add3A_203 = vector.broadcast %scan3A_200 : i32 to vector<16xi32>
      %add3A_204 = arith.addi %broadcast_in_dim3A_202, %add3A_203 : vector<16xi32>
      %gather3A = tpu.vector_load_idx %arg14[%add3A_204] : memref<64xi32, #tpu.memory_space<vmem>>[vector<16xi32>], vector<16xi32>,
      %mul3A_205 = arith.constant 16 : i32
      %mul3A_206 = arith.muli %scan3A_200, %mul3A_205 : i32
      %add3A_207 = arith.constant 0 : i32
      %add3A_208 = arith.addi %add3A_207, %mul3A_206 : i32
      %get3A_209 = arith.index_cast %add3A_208 : i32 to index
      %get3A_210 = tpu.vector_load %arg11[%get3A_209] {strides = array<i32>} : memref<4096xi32, #tpu.memory_space<vmem>>, vector<16xi32>,
      %broadcast_in_dim3A_211 = arith.constant true
      %broadcast_in_dim3A_212 = vector.broadcast %broadcast_in_dim3A_211 : i1 to vector<16xi1>
      %masked_cumsum3A = tpu.scan <sum>, %get3A_210 masked %broadcast_in_dim3A_212 : vector<16xi32>, vector<16xi1> -> vector<16xi32>
      %sub3A = arith.subi %masked_cumsum3A, %get3A_210 : vector<16xi32>
      %add3A_213 = arith.addi %sub3A, %gather3A : vector<16xi32>
      %mul3A_214 = arith.constant 64 : i32
      %mul3A_215 = arith.muli %scan3A_200, %mul3A_214 : i32
      %add3A_216 = arith.constant 0 : i32
      %add3A_217 = arith.addi %mul3A_215, %add3A_216 : i32
      %swap3A_218 = arith.index_cast %add3A_217 : i32 to index
      %swap3A_219 = tpu.vector_load %arg12[%swap3A_218] {strides = array<i32>} : memref<4096xi32, #tpu.memory_space<vmem>>, vector<16xi32>,
      tpu.vector_store %arg12[%swap3A_218], %add3A_213 {strides = array<i32>} : memref<4096xi32, #tpu.memory_space<vmem>>, vector<16xi32>,
      %reduce_sum3A = arith.constant true
      %reduce_sum3A_220 = vector.broadcast %reduce_sum3A : i1 to vector<16xi1>
      %reduce_sum3A_221 = tpu.scan <sum>, %get3A_210 masked %reduce_sum3A_220 : vector<16xi32>, vector<16xi1> -> vector<16xi32>
      %reduce_sum3A_222 = vector.extract %reduce_sum3A_221[15] : i32 from vector<16xi32>
      %add3A_223 = vector.broadcast %reduce_sum3A_222 : i32 to vector<16xi32>
      %add3A_224 = arith.addi %gather3A, %add3A_223 : vector<16xi32>
      %mul3A_225 = arith.constant 16 : i32
      %mul3A_226 = arith.muli %scan3A_200, %mul3A_225 : i32
      %add3A_227 = arith.constant 1024 : i32
      %add3A_228 = arith.addi %add3A_227, %mul3A_226 : i32
      %get3A_229 = arith.index_cast %add3A_228 : i32 to index
      %get3A_230 = tpu.vector_load %arg11[%get3A_229] {strides = array<i32>} : memref<4096xi32, #tpu.memory_space<vmem>>, vector<16xi32>,
      %broadcast_in_dim3A_231 = arith.constant true
      %broadcast_in_dim3A_232 = vector.broadcast %broadcast_in_dim3A_231 : i1 to vector<16xi1>
      %masked_cumsum3A_233 = tpu.scan <sum>, %get3A_230 masked %broadcast_in_dim3A_232 : vector<16xi32>, vector<16xi1> -> vector<16xi32>
      %sub3A_234 = arith.subi %masked_cumsum3A_233, %get3A_230 : vector<16xi32>
      %add3A_235 = arith.addi %sub3A_234, %add3A_224 : vector<16xi32>
      %mul3A_236 = arith.constant 64 : i32
      %mul3A_237 = arith.muli %scan3A_200, %mul3A_236 : i32
      %add3A_238 = arith.constant 16 : i32
      %add3A_239 = arith.addi %mul3A_237, %add3A_238 : i32
      %swap3A_240 = arith.index_cast %add3A_239 : i32 to index
      %swap3A_241 = tpu.vector_load %arg12[%swap3A_240] {strides = array<i32>} : memref<4096xi32, #tpu.memory_space<vmem>>, vector<16xi32>,
      tpu.vector_store %arg12[%swap3A_240], %add3A_235 {strides = array<i32>} : memref<4096xi32, #tpu.memory_space<vmem>>, vector<16xi32>,
      %reduce_sum3A_242 = arith.constant true
      %reduce_sum3A_243 = vector.broadcast %reduce_sum3A_242 : i1 to vector<16xi1>
      %reduce_sum3A_244 = tpu.scan <sum>, %get3A_230 masked %reduce_sum3A_243 : vector<16xi32>, vector<16xi1> -> vector<16xi32>
      %reduce_sum3A_245 = vector.extract %reduce_sum3A_244[15] : i32 from vector<16xi32>
      %add3A_246 = vector.broadcast %reduce_sum3A_245 : i32 to vector<16xi32>
      %add3A_247 = arith.addi %add3A_224, %add3A_246 : vector<16xi32>
      %mul3A_248 = arith.constant 16 : i32
      %mul3A_249 = arith.muli %scan3A_200, %mul3A_248 : i32
      %add3A_250 = arith.constant 2048 : i32
      %add3A_251 = arith.addi %add3A_250, %mul3A_249 : i32
      %get3A_252 = arith.index_cast %add3A_251 : i32 to index
      %get3A_253 = tpu.vector_load %arg11[%get3A_252] {strides = array<i32>} : memref<4096xi32, #tpu.memory_space<vmem>>, vector<16xi32>,
      %broadcast_in_dim3A_254 = arith.constant true
      %broadcast_in_dim3A_255 = vector.broadcast %broadcast_in_dim3A_254 : i1 to vector<16xi1>
      %masked_cumsum3A_256 = tpu.scan <sum>, %get3A_253 masked %broadcast_in_dim3A_255 : vector<16xi32>, vector<16xi1> -> vector<16xi32>
      %sub3A_257 = arith.subi %masked_cumsum3A_256, %get3A_253 : vector<16xi32>
      %add3A_258 = arith.addi %sub3A_257, %add3A_247 : vector<16xi32>
      %mul3A_259 = arith.constant 64 : i32
      %mul3A_260 = arith.muli %scan3A_200, %mul3A_259 : i32
      %add3A_261 = arith.constant 32 : i32
      %add3A_262 = arith.addi %mul3A_260, %add3A_261 : i32
      %swap3A_263 = arith.index_cast %add3A_262 : i32 to index
      %swap3A_264 = tpu.vector_load %arg12[%swap3A_263] {strides = array<i32>} : memref<4096xi32, #tpu.memory_space<vmem>>, vector<16xi32>,
      tpu.vector_store %arg12[%swap3A_263], %add3A_258 {strides = array<i32>} : memref<4096xi32, #tpu.memory_space<vmem>>, vector<16xi32>,
      %reduce_sum3A_265 = arith.constant true
      %reduce_sum3A_266 = vector.broadcast %reduce_sum3A_265 : i1 to vector<16xi1>
      %reduce_sum3A_267 = tpu.scan <sum>, %get3A_253 masked %reduce_sum3A_266 : vector<16xi32>, vector<16xi1> -> vector<16xi32>
      %reduce_sum3A_268 = vector.extract %reduce_sum3A_267[15] : i32 from vector<16xi32>
      %add3A_269 = vector.broadcast %reduce_sum3A_268 : i32 to vector<16xi32>
      %add3A_270 = arith.addi %add3A_247, %add3A_269 : vector<16xi32>
      %mul3A_271 = arith.constant 16 : i32
      %mul3A_272 = arith.muli %scan3A_200, %mul3A_271 : i32
      %add3A_273 = arith.constant 3072 : i32
      %add3A_274 = arith.addi %add3A_273, %mul3A_272 : i32
      %get3A_275 = arith.index_cast %add3A_274 : i32 to index
      %get3A_276 = tpu.vector_load %arg11[%get3A_275] {strides = array<i32>} : memref<4096xi32, #tpu.memory_space<vmem>>, vector<16xi32>,
      %broadcast_in_dim3A_277 = arith.constant true
      %broadcast_in_dim3A_278 = vector.broadcast %broadcast_in_dim3A_277 : i1 to vector<16xi1>
      %masked_cumsum3A_279 = tpu.scan <sum>, %get3A_276 masked %broadcast_in_dim3A_278 : vector<16xi32>, vector<16xi1> -> vector<16xi32>
      %sub3A_280 = arith.subi %masked_cumsum3A_279, %get3A_276 : vector<16xi32>
      %add3A_281 = arith.addi %sub3A_280, %add3A_270 : vector<16xi32>
      %mul3A_282 = arith.constant 64 : i32
      %mul3A_283 = arith.muli %scan3A_200, %mul3A_282 : i32
      %add3A_284 = arith.constant 48 : i32
      %add3A_285 = arith.addi %mul3A_283, %add3A_284 : i32
      %swap3A_286 = arith.index_cast %add3A_285 : i32 to index
      %swap3A_287 = tpu.vector_load %arg12[%swap3A_286] {strides = array<i32>} : memref<4096xi32, #tpu.memory_space<vmem>>, vector<16xi32>,
      tpu.vector_store %arg12[%swap3A_286], %add3A_281 {strides = array<i32>} : memref<4096xi32, #tpu.memory_space<vmem>>, vector<16xi32>,
      %reduce_sum3A_288 = arith.constant true
      %reduce_sum3A_289 = vector.broadcast %reduce_sum3A_288 : i1 to vector<16xi1>
      %reduce_sum3A_290 = tpu.scan <sum>, %get3A_276 masked %reduce_sum3A_289 : vector<16xi32>, vector<16xi1> -> vector<16xi32>
      %reduce_sum3A_291 = vector.extract %reduce_sum3A_290[15] : i32 from vector<16xi32>
      %add3A_292 = vector.broadcast %reduce_sum3A_291 : i32 to vector<16xi32>
      %add3A_293 = arith.addi %add3A_270, %add3A_292 : vector<16xi32>
    }
    %scan3A_150 = arith.constant 64 : i32
    %get3A = arith.constant 0 : index
    %get3A_151 = tpu.vector_load %arg16[%get3A] {strides = array<i32>} : memref<16xi32, #tpu.memory_space<vmem>>, vector<16xi32>,
    %dma_wait3A = tpu.memref_slice %arg3[%mul3A_1] : memref<131072xf32, #tpu.memory_space<hbm>> -> memref<8192xf32, #tpu.memory_space<hbm>>
    %dma_wait3A_152 = tpu.memref_slice %arg3[%mul3A_1] : memref<131072xf32, #tpu.memory_space<hbm>> -> memref<8192xf32, #tpu.memory_space<hbm>>
    tpu.wait_dma2 semaphore(%arg19 : memref<!tpu.dma_semaphore, #tpu.memory_space<semaphore_mem>>) src(%dma_wait3A_152 : memref<8192xf32, #tpu.memory_space<hbm>>) dst(%arg8 : memref<8192xf32, #tpu.memory_space<vmem>>)
    %parallel_loop3A_153 = arith.constant 0 : i32
    %parallel_loop3A_154 = arith.constant 8192 : i32
    %parallel_loop3A_155 = arith.constant 16 : i32
    scf.for %parallel_loop3A_200 = %parallel_loop3A_153 to %parallel_loop3A_154 step %parallel_loop3A_155  : i32 {
      %parallel_loop3A_201 = arith.index_cast %parallel_loop3A_200 : i32 to index
      %parallel_loop3A_202 = tpu.vector_load %arg7[%parallel_loop3A_201] {strides = array<i32>} : memref<8192xi32, #tpu.memory_space<vmem>>, vector<16xi32>,
      %parallel_loop3A_203 = arith.constant 128 : i32
      %parallel_loop3A_204 = arith.divsi %parallel_loop3A_200, %parallel_loop3A_203 : i32
      %parallel_loop3A_205 = arith.constant 0 : i32
      %parallel_loop3A_206 = arith.cmpi sgt, %parallel_loop3A_200, %parallel_loop3A_205 : i32
      %parallel_loop3A_207 = arith.extui %parallel_loop3A_206 : i1 to i32
      %parallel_loop3A_208 = arith.constant 0 : i32
      %parallel_loop3A_209 = arith.cmpi slt, %parallel_loop3A_200, %parallel_loop3A_208 : i32
      %parallel_loop3A_210 = arith.extui %parallel_loop3A_209 : i1 to i32
      %parallel_loop3A_211 = arith.subi %parallel_loop3A_207, %parallel_loop3A_210 : i32
      %parallel_loop3A_212 = arith.constant 0 : i32
      %parallel_loop3A_213 = arith.cmpi sgt, %parallel_loop3A_203, %parallel_loop3A_212 : i32
      %parallel_loop3A_214 = arith.extui %parallel_loop3A_213 : i1 to i32
      %parallel_loop3A_215 = arith.constant 0 : i32
      %parallel_loop3A_216 = arith.cmpi slt, %parallel_loop3A_203, %parallel_loop3A_215 : i32
      %parallel_loop3A_217 = arith.extui %parallel_loop3A_216 : i1 to i32
      %parallel_loop3A_218 = arith.subi %parallel_loop3A_214, %parallel_loop3A_217 : i32
      %parallel_loop3A_219 = arith.cmpi ne, %parallel_loop3A_211, %parallel_loop3A_218 : i32
      %parallel_loop3A_220 = arith.remsi %parallel_loop3A_200, %parallel_loop3A_203 : i32
      %parallel_loop3A_221 = arith.constant 0 : i32
      %parallel_loop3A_222 = arith.cmpi ne, %parallel_loop3A_220, %parallel_loop3A_221 : i32
      %parallel_loop3A_223 = arith.andi %parallel_loop3A_219, %parallel_loop3A_222 : i1
      %parallel_loop3A_224 = arith.constant 1 : i32
      %parallel_loop3A_225 = arith.subi %parallel_loop3A_204, %parallel_loop3A_224 : i32
      %parallel_loop3A_226 = arith.select %parallel_loop3A_223, %parallel_loop3A_225, %parallel_loop3A_204 : i32
      %parallel_loop3A_227 = arith.constant 64 : i32
      %parallel_loop3A_228 = vector.broadcast %parallel_loop3A_227 : i32 to vector<16xi32>
      %parallel_loop3A_229 = arith.muli %parallel_loop3A_202, %parallel_loop3A_228 : vector<16xi32>
      %parallel_loop3A_230 = vector.broadcast %parallel_loop3A_226 : i32 to vector<16xi32>
      %parallel_loop3A_231 = arith.addi %parallel_loop3A_229, %parallel_loop3A_230 : vector<16xi32>
      %parallel_loop3A_232 = tpu.vector_load_idx %arg12[%parallel_loop3A_231] : memref<4096xi32, #tpu.memory_space<vmem>>[vector<16xi32>], vector<16xi32>,
      %parallel_loop3A_233 = arith.index_cast %parallel_loop3A_200 : i32 to index
      %parallel_loop3A_234 = tpu.vector_load %arg9[%parallel_loop3A_233] {strides = array<i32>} : memref<8192xi32, #tpu.memory_space<vmem>>, vector<16xi32>,
      %parallel_loop3A_235 = arith.addi %parallel_loop3A_234, %parallel_loop3A_232 : vector<16xi32>
      %parallel_loop3A_236 = arith.cmpi slt, %parallel_loop3A_235, %get3A_151 : vector<16xi32>
      %parallel_loop3A_237 = arith.index_cast %parallel_loop3A_200 : i32 to index
      %parallel_loop3A_238 = tpu.vector_load %arg8[%parallel_loop3A_237] {strides = array<i32>} : memref<8192xf32, #tpu.memory_space<vmem>>, vector<16xf32>,
      %parallel_loop3A_239 = arith.constant 0.000000e+00 : f32
      %parallel_loop3A_240 = vector.broadcast %parallel_loop3A_239 : f32 to vector<16xf32>
      %parallel_loop3A_241 = arith.select %parallel_loop3A_236, %parallel_loop3A_238, %parallel_loop3A_240 : vector<16xi1>, vector<16xf32>
      %parallel_loop3A_242 = arith.index_cast %parallel_loop3A_200 : i32 to index
      %parallel_loop3A_243 = tpu.vector_load %arg10[%parallel_loop3A_242] {strides = array<i32>} : memref<8192xf32, #tpu.memory_space<vmem>>, vector<16xf32>,
      tpu.vector_store %arg10[%parallel_loop3A_242], %parallel_loop3A_241 {strides = array<i32>} : memref<8192xf32, #tpu.memory_space<vmem>>, vector<16xf32>,
    } {sc.loop_unroll_factor = 2 : i64, sc.parallel_access}
    "tpu.region"() ({
      %run_scoped3A_200 = tpu.sem_alloc : memref<!tpu.dma_semaphore, #tpu.memory_space<semaphore_mem>>
      %dma_start3A_201 = tpu.memref_slice %arg5[%mul3A_1] : memref<131072xf32, #tpu.memory_space<hbm>> -> memref<8192xf32, #tpu.memory_space<hbm>>
      %dma_start3A_202 = tpu.memref_slice %arg5[%mul3A_1] : memref<131072xf32, #tpu.memory_space<hbm>> -> memref<8192xf32, #tpu.memory_space<hbm>>
      tpu.enqueue_dma source(%arg10 : memref<8192xf32, #tpu.memory_space<vmem>>) target(%dma_start3A_202 : memref<8192xf32, #tpu.memory_space<hbm>>) target_semaphore(%run_scoped3A_200 : memref<!tpu.dma_semaphore, #tpu.memory_space<semaphore_mem>>)
      %dma_wait3A_203 = tpu.memref_slice %arg5[%mul3A_1] : memref<131072xf32, #tpu.memory_space<hbm>> -> memref<8192xf32, #tpu.memory_space<hbm>>
      %dma_wait3A_204 = tpu.memref_slice %arg5[%mul3A_1] : memref<131072xf32, #tpu.memory_space<hbm>> -> memref<8192xf32, #tpu.memory_space<hbm>>
      tpu.wait_dma2 semaphore(%run_scoped3A_200 : memref<!tpu.dma_semaphore, #tpu.memory_space<semaphore_mem>>) src(%arg10 : memref<8192xf32, #tpu.memory_space<vmem>>) dst(%dma_wait3A_204 : memref<8192xf32, #tpu.memory_space<hbm>>)
      tpu.yield
    }) : () -> ()
    "tpu.region"() ({
      %run_scoped3A_200 = tpu.sem_alloc : memref<!tpu.dma_semaphore, #tpu.memory_space<semaphore_mem>>
      %dma_start3A_201 = tpu.memref_slice %arg21[%mul3A_1] : memref<131072xf32, #tpu.memory_space<vmem_shared>> -> memref<8192xf32, #tpu.memory_space<vmem_shared>>
      %dma_start3A_202 = tpu.memref_slice %arg21[%mul3A_1] : memref<131072xf32, #tpu.memory_space<vmem_shared>> -> memref<8192xf32, #tpu.memory_space<vmem_shared>>
      tpu.enqueue_dma source(%arg10 : memref<8192xf32, #tpu.memory_space<vmem>>) target(%dma_start3A_202 : memref<8192xf32, #tpu.memory_space<vmem_shared>>) target_semaphore(%run_scoped3A_200 : memref<!tpu.dma_semaphore, #tpu.memory_space<semaphore_mem>>)
      %dma_wait3A_203 = tpu.memref_slice %arg21[%mul3A_1] : memref<131072xf32, #tpu.memory_space<vmem_shared>> -> memref<8192xf32, #tpu.memory_space<vmem_shared>>
      %dma_wait3A_204 = tpu.memref_slice %arg21[%mul3A_1] : memref<131072xf32, #tpu.memory_space<vmem_shared>> -> memref<8192xf32, #tpu.memory_space<vmem_shared>>
      tpu.wait_dma2 semaphore(%run_scoped3A_200 : memref<!tpu.dma_semaphore, #tpu.memory_space<semaphore_mem>>) src(%arg10 : memref<8192xf32, #tpu.memory_space<vmem>>) dst(%dma_wait3A_204 : memref<8192xf32, #tpu.memory_space<vmem_shared>>)
      tpu.yield
    }) : () -> ()
    %barrier3A_156 = arith.constant 0 : index
    tpu.barrier barrier_id(%barrier3A_156)
    %mul3A_157 = arith.constant 1024 : i32
    %mul3A_158 = arith.muli %arg1, %mul3A_157 : i32
    %add3A = arith.constant 0 : i32
    %add3A_159 = arith.addi %add3A, %mul3A_158 : i32
    %run_scoped3A = arith.constant 0 : i32
    "tpu.region"() ({
      %run_scoped3A_200 = tpu.sem_alloc : memref<!tpu.dma_semaphore, #tpu.memory_space<semaphore_mem>>
      %dma_start3A_201 = arith.constant 0 : i32
      %dma_start3A_202 = tpu.memref_slice %arg17[%run_scoped3A, %dma_start3A_201] : memref<8x1024xf32, #tpu.memory_space<vmem>> -> memref<1x1024xf32, #tpu.memory_space<vmem>>
      %dma_start3A_203 = tpu.memref_squeeze %dma_start3A_202 : memref<1x1024xf32, #tpu.memory_space<vmem>> -> memref<1024xf32, #tpu.memory_space<vmem>>
      %dma_start3A_204 = tpu.memref_slice %arg21[%add3A_159] : memref<131072xf32, #tpu.memory_space<vmem_shared>> -> memref<1024xf32, #tpu.memory_space<vmem_shared>>
      %dma_start3A_205 = arith.constant 0 : i32
      %dma_start3A_206 = tpu.memref_slice %arg17[%run_scoped3A, %dma_start3A_205] : memref<8x1024xf32, #tpu.memory_space<vmem>> -> memref<1x1024xf32, #tpu.memory_space<vmem>>
      %dma_start3A_207 = tpu.memref_squeeze %dma_start3A_206 : memref<1x1024xf32, #tpu.memory_space<vmem>> -> memref<1024xf32, #tpu.memory_space<vmem>>
      %dma_start3A_208 = tpu.memref_slice %arg21[%add3A_159] : memref<131072xf32, #tpu.memory_space<vmem_shared>> -> memref<1024xf32, #tpu.memory_space<vmem_shared>>
      tpu.enqueue_dma source(%dma_start3A_208 : memref<1024xf32, #tpu.memory_space<vmem_shared>>) target(%dma_start3A_207 : memref<1024xf32, #tpu.memory_space<vmem>>) target_semaphore(%run_scoped3A_200 : memref<!tpu.dma_semaphore, #tpu.memory_space<semaphore_mem>>)
      %dma_wait3A_209 = arith.constant 0 : i32
      %dma_wait3A_210 = tpu.memref_slice %arg17[%run_scoped3A, %dma_wait3A_209] : memref<8x1024xf32, #tpu.memory_space<vmem>> -> memref<1x1024xf32, #tpu.memory_space<vmem>>
      %dma_wait3A_211 = tpu.memref_squeeze %dma_wait3A_210 : memref<1x1024xf32, #tpu.memory_space<vmem>> -> memref<1024xf32, #tpu.memory_space<vmem>>
      %dma_wait3A_212 = tpu.memref_slice %arg21[%add3A_159] : memref<131072xf32, #tpu.memory_space<vmem_shared>> -> memref<1024xf32, #tpu.memory_space<vmem_shared>>
      %dma_wait3A_213 = arith.constant 0 : i32
      %dma_wait3A_214 = tpu.memref_slice %arg17[%run_scoped3A, %dma_wait3A_213] : memref<8x1024xf32, #tpu.memory_space<vmem>> -> memref<1x1024xf32, #tpu.memory_space<vmem>>
      %dma_wait3A_215 = tpu.memref_squeeze %dma_wait3A_214 : memref<1x1024xf32, #tpu.memory_space<vmem>> -> memref<1024xf32, #tpu.memory_space<vmem>>
      %dma_wait3A_216 = tpu.memref_slice %arg21[%add3A_159] : memref<131072xf32, #tpu.memory_space<vmem_shared>> -> memref<1024xf32, #tpu.memory_space<vmem_shared>>
      tpu.wait_dma2 semaphore(%run_scoped3A_200 : memref<!tpu.dma_semaphore, #tpu.memory_space<semaphore_mem>>) src(%dma_wait3A_216 : memref<1024xf32, #tpu.memory_space<vmem_shared>>) dst(%dma_wait3A_215 : memref<1024xf32, #tpu.memory_space<vmem>>)
      tpu.yield
    }) : () -> ()
    %mul3A_160 = arith.constant 1024 : i32
    %mul3A_161 = arith.muli %arg1, %mul3A_160 : i32
    %add3A_162 = arith.constant 16384 : i32
    %add3A_163 = arith.addi %add3A_162, %mul3A_161 : i32
    %run_scoped3A_164 = arith.constant 1 : i32
    "tpu.region"() ({
      %run_scoped3A_200 = tpu.sem_alloc : memref<!tpu.dma_semaphore, #tpu.memory_space<semaphore_mem>>
      %dma_start3A_201 = arith.constant 0 : i32
      %dma_start3A_202 = tpu.memref_slice %arg17[%run_scoped3A_164, %dma_start3A_201] : memref<8x1024xf32, #tpu.memory_space<vmem>> -> memref<1x1024xf32, #tpu.memory_space<vmem>>
      %dma_start3A_203 = tpu.memref_squeeze %dma_start3A_202 : memref<1x1024xf32, #tpu.memory_space<vmem>> -> memref<1024xf32, #tpu.memory_space<vmem>>
      %dma_start3A_204 = tpu.memref_slice %arg21[%add3A_163] : memref<131072xf32, #tpu.memory_space<vmem_shared>> -> memref<1024xf32, #tpu.memory_space<vmem_shared>>
      %dma_start3A_205 = arith.constant 0 : i32
      %dma_start3A_206 = tpu.memref_slice %arg17[%run_scoped3A_164, %dma_start3A_205] : memref<8x1024xf32, #tpu.memory_space<vmem>> -> memref<1x1024xf32, #tpu.memory_space<vmem>>
      %dma_start3A_207 = tpu.memref_squeeze %dma_start3A_206 : memref<1x1024xf32, #tpu.memory_space<vmem>> -> memref<1024xf32, #tpu.memory_space<vmem>>
      %dma_start3A_208 = tpu.memref_slice %arg21[%add3A_163] : memref<131072xf32, #tpu.memory_space<vmem_shared>> -> memref<1024xf32, #tpu.memory_space<vmem_shared>>
      tpu.enqueue_dma source(%dma_start3A_208 : memref<1024xf32, #tpu.memory_space<vmem_shared>>) target(%dma_start3A_207 : memref<1024xf32, #tpu.memory_space<vmem>>) target_semaphore(%run_scoped3A_200 : memref<!tpu.dma_semaphore, #tpu.memory_space<semaphore_mem>>)
      %dma_wait3A_209 = arith.constant 0 : i32
      %dma_wait3A_210 = tpu.memref_slice %arg17[%run_scoped3A_164, %dma_wait3A_209] : memref<8x1024xf32, #tpu.memory_space<vmem>> -> memref<1x1024xf32, #tpu.memory_space<vmem>>
      %dma_wait3A_211 = tpu.memref_squeeze %dma_wait3A_210 : memref<1x1024xf32, #tpu.memory_space<vmem>> -> memref<1024xf32, #tpu.memory_space<vmem>>
      %dma_wait3A_212 = tpu.memref_slice %arg21[%add3A_163] : memref<131072xf32, #tpu.memory_space<vmem_shared>> -> memref<1024xf32, #tpu.memory_space<vmem_shared>>
      %dma_wait3A_213 = arith.constant 0 : i32
      %dma_wait3A_214 = tpu.memref_slice %arg17[%run_scoped3A_164, %dma_wait3A_213] : memref<8x1024xf32, #tpu.memory_space<vmem>> -> memref<1x1024xf32, #tpu.memory_space<vmem>>
      %dma_wait3A_215 = tpu.memref_squeeze %dma_wait3A_214 : memref<1x1024xf32, #tpu.memory_space<vmem>> -> memref<1024xf32, #tpu.memory_space<vmem>>
      %dma_wait3A_216 = tpu.memref_slice %arg21[%add3A_163] : memref<131072xf32, #tpu.memory_space<vmem_shared>> -> memref<1024xf32, #tpu.memory_space<vmem_shared>>
      tpu.wait_dma2 semaphore(%run_scoped3A_200 : memref<!tpu.dma_semaphore, #tpu.memory_space<semaphore_mem>>) src(%dma_wait3A_216 : memref<1024xf32, #tpu.memory_space<vmem_shared>>) dst(%dma_wait3A_215 : memref<1024xf32, #tpu.memory_space<vmem>>)
      tpu.yield
    }) : () -> ()
    %mul3A_165 = arith.constant 1024 : i32
    %mul3A_166 = arith.muli %arg1, %mul3A_165 : i32
    %add3A_167 = arith.constant 32768 : i32
    %add3A_168 = arith.addi %add3A_167, %mul3A_166 : i32
    %run_scoped3A_169 = arith.constant 2 : i32
    "tpu.region"() ({
      %run_scoped3A_200 = tpu.sem_alloc : memref<!tpu.dma_semaphore, #tpu.memory_space<semaphore_mem>>
      %dma_start3A_201 = arith.constant 0 : i32
      %dma_start3A_202 = tpu.memref_slice %arg17[%run_scoped3A_169, %dma_start3A_201] : memref<8x1024xf32, #tpu.memory_space<vmem>> -> memref<1x1024xf32, #tpu.memory_space<vmem>>
      %dma_start3A_203 = tpu.memref_squeeze %dma_start3A_202 : memref<1x1024xf32, #tpu.memory_space<vmem>> -> memref<1024xf32, #tpu.memory_space<vmem>>
      %dma_start3A_204 = tpu.memref_slice %arg21[%add3A_168] : memref<131072xf32, #tpu.memory_space<vmem_shared>> -> memref<1024xf32, #tpu.memory_space<vmem_shared>>
      %dma_start3A_205 = arith.constant 0 : i32
      %dma_start3A_206 = tpu.memref_slice %arg17[%run_scoped3A_169, %dma_start3A_205] : memref<8x1024xf32, #tpu.memory_space<vmem>> -> memref<1x1024xf32, #tpu.memory_space<vmem>>
      %dma_start3A_207 = tpu.memref_squeeze %dma_start3A_206 : memref<1x1024xf32, #tpu.memory_space<vmem>> -> memref<1024xf32, #tpu.memory_space<vmem>>
      %dma_start3A_208 = tpu.memref_slice %arg21[%add3A_168] : memref<131072xf32, #tpu.memory_space<vmem_shared>> -> memref<1024xf32, #tpu.memory_space<vmem_shared>>
      tpu.enqueue_dma source(%dma_start3A_208 : memref<1024xf32, #tpu.memory_space<vmem_shared>>) target(%dma_start3A_207 : memref<1024xf32, #tpu.memory_space<vmem>>) target_semaphore(%run_scoped3A_200 : memref<!tpu.dma_semaphore, #tpu.memory_space<semaphore_mem>>)
      %dma_wait3A_209 = arith.constant 0 : i32
      %dma_wait3A_210 = tpu.memref_slice %arg17[%run_scoped3A_169, %dma_wait3A_209] : memref<8x1024xf32, #tpu.memory_space<vmem>> -> memref<1x1024xf32, #tpu.memory_space<vmem>>
      %dma_wait3A_211 = tpu.memref_squeeze %dma_wait3A_210 : memref<1x1024xf32, #tpu.memory_space<vmem>> -> memref<1024xf32, #tpu.memory_space<vmem>>
      %dma_wait3A_212 = tpu.memref_slice %arg21[%add3A_168] : memref<131072xf32, #tpu.memory_space<vmem_shared>> -> memref<1024xf32, #tpu.memory_space<vmem_shared>>
      %dma_wait3A_213 = arith.constant 0 : i32
      %dma_wait3A_214 = tpu.memref_slice %arg17[%run_scoped3A_169, %dma_wait3A_213] : memref<8x1024xf32, #tpu.memory_space<vmem>> -> memref<1x1024xf32, #tpu.memory_space<vmem>>
      %dma_wait3A_215 = tpu.memref_squeeze %dma_wait3A_214 : memref<1x1024xf32, #tpu.memory_space<vmem>> -> memref<1024xf32, #tpu.memory_space<vmem>>
      %dma_wait3A_216 = tpu.memref_slice %arg21[%add3A_168] : memref<131072xf32, #tpu.memory_space<vmem_shared>> -> memref<1024xf32, #tpu.memory_space<vmem_shared>>
      tpu.wait_dma2 semaphore(%run_scoped3A_200 : memref<!tpu.dma_semaphore, #tpu.memory_space<semaphore_mem>>) src(%dma_wait3A_216 : memref<1024xf32, #tpu.memory_space<vmem_shared>>) dst(%dma_wait3A_215 : memref<1024xf32, #tpu.memory_space<vmem>>)
      tpu.yield
    }) : () -> ()
    %mul3A_170 = arith.constant 1024 : i32
    %mul3A_171 = arith.muli %arg1, %mul3A_170 : i32
    %add3A_172 = arith.constant 49152 : i32
    %add3A_173 = arith.addi %add3A_172, %mul3A_171 : i32
    %run_scoped3A_174 = arith.constant 3 : i32
    "tpu.region"() ({
      %run_scoped3A_200 = tpu.sem_alloc : memref<!tpu.dma_semaphore, #tpu.memory_space<semaphore_mem>>
      %dma_start3A_201 = arith.constant 0 : i32
      %dma_start3A_202 = tpu.memref_slice %arg17[%run_scoped3A_174, %dma_start3A_201] : memref<8x1024xf32, #tpu.memory_space<vmem>> -> memref<1x1024xf32, #tpu.memory_space<vmem>>
      %dma_start3A_203 = tpu.memref_squeeze %dma_start3A_202 : memref<1x1024xf32, #tpu.memory_space<vmem>> -> memref<1024xf32, #tpu.memory_space<vmem>>
      %dma_start3A_204 = tpu.memref_slice %arg21[%add3A_173] : memref<131072xf32, #tpu.memory_space<vmem_shared>> -> memref<1024xf32, #tpu.memory_space<vmem_shared>>
      %dma_start3A_205 = arith.constant 0 : i32
      %dma_start3A_206 = tpu.memref_slice %arg17[%run_scoped3A_174, %dma_start3A_205] : memref<8x1024xf32, #tpu.memory_space<vmem>> -> memref<1x1024xf32, #tpu.memory_space<vmem>>
      %dma_start3A_207 = tpu.memref_squeeze %dma_start3A_206 : memref<1x1024xf32, #tpu.memory_space<vmem>> -> memref<1024xf32, #tpu.memory_space<vmem>>
      %dma_start3A_208 = tpu.memref_slice %arg21[%add3A_173] : memref<131072xf32, #tpu.memory_space<vmem_shared>> -> memref<1024xf32, #tpu.memory_space<vmem_shared>>
      tpu.enqueue_dma source(%dma_start3A_208 : memref<1024xf32, #tpu.memory_space<vmem_shared>>) target(%dma_start3A_207 : memref<1024xf32, #tpu.memory_space<vmem>>) target_semaphore(%run_scoped3A_200 : memref<!tpu.dma_semaphore, #tpu.memory_space<semaphore_mem>>)
      %dma_wait3A_209 = arith.constant 0 : i32
      %dma_wait3A_210 = tpu.memref_slice %arg17[%run_scoped3A_174, %dma_wait3A_209] : memref<8x1024xf32, #tpu.memory_space<vmem>> -> memref<1x1024xf32, #tpu.memory_space<vmem>>
      %dma_wait3A_211 = tpu.memref_squeeze %dma_wait3A_210 : memref<1x1024xf32, #tpu.memory_space<vmem>> -> memref<1024xf32, #tpu.memory_space<vmem>>
      %dma_wait3A_212 = tpu.memref_slice %arg21[%add3A_173] : memref<131072xf32, #tpu.memory_space<vmem_shared>> -> memref<1024xf32, #tpu.memory_space<vmem_shared>>
      %dma_wait3A_213 = arith.constant 0 : i32
      %dma_wait3A_214 = tpu.memref_slice %arg17[%run_scoped3A_174, %dma_wait3A_213] : memref<8x1024xf32, #tpu.memory_space<vmem>> -> memref<1x1024xf32, #tpu.memory_space<vmem>>
      %dma_wait3A_215 = tpu.memref_squeeze %dma_wait3A_214 : memref<1x1024xf32, #tpu.memory_space<vmem>> -> memref<1024xf32, #tpu.memory_space<vmem>>
      %dma_wait3A_216 = tpu.memref_slice %arg21[%add3A_173] : memref<131072xf32, #tpu.memory_space<vmem_shared>> -> memref<1024xf32, #tpu.memory_space<vmem_shared>>
      tpu.wait_dma2 semaphore(%run_scoped3A_200 : memref<!tpu.dma_semaphore, #tpu.memory_space<semaphore_mem>>) src(%dma_wait3A_216 : memref<1024xf32, #tpu.memory_space<vmem_shared>>) dst(%dma_wait3A_215 : memref<1024xf32, #tpu.memory_space<vmem>>)
      tpu.yield
    }) : () -> ()
    %mul3A_175 = arith.constant 1024 : i32
    %mul3A_176 = arith.muli %arg1, %mul3A_175 : i32
    %add3A_177 = arith.constant 65536 : i32
    %add3A_178 = arith.addi %add3A_177, %mul3A_176 : i32
    %run_scoped3A_179 = arith.constant 4 : i32
    "tpu.region"() ({
      %run_scoped3A_200 = tpu.sem_alloc : memref<!tpu.dma_semaphore, #tpu.memory_space<semaphore_mem>>
      %dma_start3A_201 = arith.constant 0 : i32
      %dma_start3A_202 = tpu.memref_slice %arg17[%run_scoped3A_179, %dma_start3A_201] : memref<8x1024xf32, #tpu.memory_space<vmem>> -> memref<1x1024xf32, #tpu.memory_space<vmem>>
      %dma_start3A_203 = tpu.memref_squeeze %dma_start3A_202 : memref<1x1024xf32, #tpu.memory_space<vmem>> -> memref<1024xf32, #tpu.memory_space<vmem>>
      %dma_start3A_204 = tpu.memref_slice %arg21[%add3A_178] : memref<131072xf32, #tpu.memory_space<vmem_shared>> -> memref<1024xf32, #tpu.memory_space<vmem_shared>>
      %dma_start3A_205 = arith.constant 0 : i32
      %dma_start3A_206 = tpu.memref_slice %arg17[%run_scoped3A_179, %dma_start3A_205] : memref<8x1024xf32, #tpu.memory_space<vmem>> -> memref<1x1024xf32, #tpu.memory_space<vmem>>
      %dma_start3A_207 = tpu.memref_squeeze %dma_start3A_206 : memref<1x1024xf32, #tpu.memory_space<vmem>> -> memref<1024xf32, #tpu.memory_space<vmem>>
      %dma_start3A_208 = tpu.memref_slice %arg21[%add3A_178] : memref<131072xf32, #tpu.memory_space<vmem_shared>> -> memref<1024xf32, #tpu.memory_space<vmem_shared>>
      tpu.enqueue_dma source(%dma_start3A_208 : memref<1024xf32, #tpu.memory_space<vmem_shared>>) target(%dma_start3A_207 : memref<1024xf32, #tpu.memory_space<vmem>>) target_semaphore(%run_scoped3A_200 : memref<!tpu.dma_semaphore, #tpu.memory_space<semaphore_mem>>)
      %dma_wait3A_209 = arith.constant 0 : i32
      %dma_wait3A_210 = tpu.memref_slice %arg17[%run_scoped3A_179, %dma_wait3A_209] : memref<8x1024xf32, #tpu.memory_space<vmem>> -> memref<1x1024xf32, #tpu.memory_space<vmem>>
      %dma_wait3A_211 = tpu.memref_squeeze %dma_wait3A_210 : memref<1x1024xf32, #tpu.memory_space<vmem>> -> memref<1024xf32, #tpu.memory_space<vmem>>
      %dma_wait3A_212 = tpu.memref_slice %arg21[%add3A_178] : memref<131072xf32, #tpu.memory_space<vmem_shared>> -> memref<1024xf32, #tpu.memory_space<vmem_shared>>
      %dma_wait3A_213 = arith.constant 0 : i32
      %dma_wait3A_214 = tpu.memref_slice %arg17[%run_scoped3A_179, %dma_wait3A_213] : memref<8x1024xf32, #tpu.memory_space<vmem>> -> memref<1x1024xf32, #tpu.memory_space<vmem>>
      %dma_wait3A_215 = tpu.memref_squeeze %dma_wait3A_214 : memref<1x1024xf32, #tpu.memory_space<vmem>> -> memref<1024xf32, #tpu.memory_space<vmem>>
      %dma_wait3A_216 = tpu.memref_slice %arg21[%add3A_178] : memref<131072xf32, #tpu.memory_space<vmem_shared>> -> memref<1024xf32, #tpu.memory_space<vmem_shared>>
      tpu.wait_dma2 semaphore(%run_scoped3A_200 : memref<!tpu.dma_semaphore, #tpu.memory_space<semaphore_mem>>) src(%dma_wait3A_216 : memref<1024xf32, #tpu.memory_space<vmem_shared>>) dst(%dma_wait3A_215 : memref<1024xf32, #tpu.memory_space<vmem>>)
      tpu.yield
    }) : () -> ()
    %mul3A_180 = arith.constant 1024 : i32
    %mul3A_181 = arith.muli %arg1, %mul3A_180 : i32
    %add3A_182 = arith.constant 81920 : i32
    %add3A_183 = arith.addi %add3A_182, %mul3A_181 : i32
    %run_scoped3A_184 = arith.constant 5 : i32
    "tpu.region"() ({
      %run_scoped3A_200 = tpu.sem_alloc : memref<!tpu.dma_semaphore, #tpu.memory_space<semaphore_mem>>
      %dma_start3A_201 = arith.constant 0 : i32
      %dma_start3A_202 = tpu.memref_slice %arg17[%run_scoped3A_184, %dma_start3A_201] : memref<8x1024xf32, #tpu.memory_space<vmem>> -> memref<1x1024xf32, #tpu.memory_space<vmem>>
      %dma_start3A_203 = tpu.memref_squeeze %dma_start3A_202 : memref<1x1024xf32, #tpu.memory_space<vmem>> -> memref<1024xf32, #tpu.memory_space<vmem>>
      %dma_start3A_204 = tpu.memref_slice %arg21[%add3A_183] : memref<131072xf32, #tpu.memory_space<vmem_shared>> -> memref<1024xf32, #tpu.memory_space<vmem_shared>>
      %dma_start3A_205 = arith.constant 0 : i32
      %dma_start3A_206 = tpu.memref_slice %arg17[%run_scoped3A_184, %dma_start3A_205] : memref<8x1024xf32, #tpu.memory_space<vmem>> -> memref<1x1024xf32, #tpu.memory_space<vmem>>
      %dma_start3A_207 = tpu.memref_squeeze %dma_start3A_206 : memref<1x1024xf32, #tpu.memory_space<vmem>> -> memref<1024xf32, #tpu.memory_space<vmem>>
      %dma_start3A_208 = tpu.memref_slice %arg21[%add3A_183] : memref<131072xf32, #tpu.memory_space<vmem_shared>> -> memref<1024xf32, #tpu.memory_space<vmem_shared>>
      tpu.enqueue_dma source(%dma_start3A_208 : memref<1024xf32, #tpu.memory_space<vmem_shared>>) target(%dma_start3A_207 : memref<1024xf32, #tpu.memory_space<vmem>>) target_semaphore(%run_scoped3A_200 : memref<!tpu.dma_semaphore, #tpu.memory_space<semaphore_mem>>)
      %dma_wait3A_209 = arith.constant 0 : i32
      %dma_wait3A_210 = tpu.memref_slice %arg17[%run_scoped3A_184, %dma_wait3A_209] : memref<8x1024xf32, #tpu.memory_space<vmem>> -> memref<1x1024xf32, #tpu.memory_space<vmem>>
      %dma_wait3A_211 = tpu.memref_squeeze %dma_wait3A_210 : memref<1x1024xf32, #tpu.memory_space<vmem>> -> memref<1024xf32, #tpu.memory_space<vmem>>
      %dma_wait3A_212 = tpu.memref_slice %arg21[%add3A_183] : memref<131072xf32, #tpu.memory_space<vmem_shared>> -> memref<1024xf32, #tpu.memory_space<vmem_shared>>
      %dma_wait3A_213 = arith.constant 0 : i32
      %dma_wait3A_214 = tpu.memref_slice %arg17[%run_scoped3A_184, %dma_wait3A_213] : memref<8x1024xf32, #tpu.memory_space<vmem>> -> memref<1x1024xf32, #tpu.memory_space<vmem>>
      %dma_wait3A_215 = tpu.memref_squeeze %dma_wait3A_214 : memref<1x1024xf32, #tpu.memory_space<vmem>> -> memref<1024xf32, #tpu.memory_space<vmem>>
      %dma_wait3A_216 = tpu.memref_slice %arg21[%add3A_183] : memref<131072xf32, #tpu.memory_space<vmem_shared>> -> memref<1024xf32, #tpu.memory_space<vmem_shared>>
      tpu.wait_dma2 semaphore(%run_scoped3A_200 : memref<!tpu.dma_semaphore, #tpu.memory_space<semaphore_mem>>) src(%dma_wait3A_216 : memref<1024xf32, #tpu.memory_space<vmem_shared>>) dst(%dma_wait3A_215 : memref<1024xf32, #tpu.memory_space<vmem>>)
      tpu.yield
    }) : () -> ()
    %mul3A_185 = arith.constant 1024 : i32
    %mul3A_186 = arith.muli %arg1, %mul3A_185 : i32
    %add3A_187 = arith.constant 98304 : i32
    %add3A_188 = arith.addi %add3A_187, %mul3A_186 : i32
    %run_scoped3A_189 = arith.constant 6 : i32
    "tpu.region"() ({
      %run_scoped3A_200 = tpu.sem_alloc : memref<!tpu.dma_semaphore, #tpu.memory_space<semaphore_mem>>
      %dma_start3A_201 = arith.constant 0 : i32
      %dma_start3A_202 = tpu.memref_slice %arg17[%run_scoped3A_189, %dma_start3A_201] : memref<8x1024xf32, #tpu.memory_space<vmem>> -> memref<1x1024xf32, #tpu.memory_space<vmem>>
      %dma_start3A_203 = tpu.memref_squeeze %dma_start3A_202 : memref<1x1024xf32, #tpu.memory_space<vmem>> -> memref<1024xf32, #tpu.memory_space<vmem>>
      %dma_start3A_204 = tpu.memref_slice %arg21[%add3A_188] : memref<131072xf32, #tpu.memory_space<vmem_shared>> -> memref<1024xf32, #tpu.memory_space<vmem_shared>>
      %dma_start3A_205 = arith.constant 0 : i32
      %dma_start3A_206 = tpu.memref_slice %arg17[%run_scoped3A_189, %dma_start3A_205] : memref<8x1024xf32, #tpu.memory_space<vmem>> -> memref<1x1024xf32, #tpu.memory_space<vmem>>
      %dma_start3A_207 = tpu.memref_squeeze %dma_start3A_206 : memref<1x1024xf32, #tpu.memory_space<vmem>> -> memref<1024xf32, #tpu.memory_space<vmem>>
      %dma_start3A_208 = tpu.memref_slice %arg21[%add3A_188] : memref<131072xf32, #tpu.memory_space<vmem_shared>> -> memref<1024xf32, #tpu.memory_space<vmem_shared>>
      tpu.enqueue_dma source(%dma_start3A_208 : memref<1024xf32, #tpu.memory_space<vmem_shared>>) target(%dma_start3A_207 : memref<1024xf32, #tpu.memory_space<vmem>>) target_semaphore(%run_scoped3A_200 : memref<!tpu.dma_semaphore, #tpu.memory_space<semaphore_mem>>)
      %dma_wait3A_209 = arith.constant 0 : i32
      %dma_wait3A_210 = tpu.memref_slice %arg17[%run_scoped3A_189, %dma_wait3A_209] : memref<8x1024xf32, #tpu.memory_space<vmem>> -> memref<1x1024xf32, #tpu.memory_space<vmem>>
      %dma_wait3A_211 = tpu.memref_squeeze %dma_wait3A_210 : memref<1x1024xf32, #tpu.memory_space<vmem>> -> memref<1024xf32, #tpu.memory_space<vmem>>
      %dma_wait3A_212 = tpu.memref_slice %arg21[%add3A_188] : memref<131072xf32, #tpu.memory_space<vmem_shared>> -> memref<1024xf32, #tpu.memory_space<vmem_shared>>
      %dma_wait3A_213 = arith.constant 0 : i32
      %dma_wait3A_214 = tpu.memref_slice %arg17[%run_scoped3A_189, %dma_wait3A_213] : memref<8x1024xf32, #tpu.memory_space<vmem>> -> memref<1x1024xf32, #tpu.memory_space<vmem>>
      %dma_wait3A_215 = tpu.memref_squeeze %dma_wait3A_214 : memref<1x1024xf32, #tpu.memory_space<vmem>> -> memref<1024xf32, #tpu.memory_space<vmem>>
      %dma_wait3A_216 = tpu.memref_slice %arg21[%add3A_188] : memref<131072xf32, #tpu.memory_space<vmem_shared>> -> memref<1024xf32, #tpu.memory_space<vmem_shared>>
      tpu.wait_dma2 semaphore(%run_scoped3A_200 : memref<!tpu.dma_semaphore, #tpu.memory_space<semaphore_mem>>) src(%dma_wait3A_216 : memref<1024xf32, #tpu.memory_space<vmem_shared>>) dst(%dma_wait3A_215 : memref<1024xf32, #tpu.memory_space<vmem>>)
      tpu.yield
    }) : () -> ()
    %mul3A_190 = arith.constant 1024 : i32
    %mul3A_191 = arith.muli %arg1, %mul3A_190 : i32
    %add3A_192 = arith.constant 114688 : i32
    %add3A_193 = arith.addi %add3A_192, %mul3A_191 : i32
    %run_scoped3A_194 = arith.constant 7 : i32
    "tpu.region"() ({
      %run_scoped3A_200 = tpu.sem_alloc : memref<!tpu.dma_semaphore, #tpu.memory_space<semaphore_mem>>
      %dma_start3A_201 = arith.constant 0 : i32
      %dma_start3A_202 = tpu.memref_slice %arg17[%run_scoped3A_194, %dma_start3A_201] : memref<8x1024xf32, #tpu.memory_space<vmem>> -> memref<1x1024xf32, #tpu.memory_space<vmem>>
      %dma_start3A_203 = tpu.memref_squeeze %dma_start3A_202 : memref<1x1024xf32, #tpu.memory_space<vmem>> -> memref<1024xf32, #tpu.memory_space<vmem>>
      %dma_start3A_204 = tpu.memref_slice %arg21[%add3A_193] : memref<131072xf32, #tpu.memory_space<vmem_shared>> -> memref<1024xf32, #tpu.memory_space<vmem_shared>>
      %dma_start3A_205 = arith.constant 0 : i32
      %dma_start3A_206 = tpu.memref_slice %arg17[%run_scoped3A_194, %dma_start3A_205] : memref<8x1024xf32, #tpu.memory_space<vmem>> -> memref<1x1024xf32, #tpu.memory_space<vmem>>
      %dma_start3A_207 = tpu.memref_squeeze %dma_start3A_206 : memref<1x1024xf32, #tpu.memory_space<vmem>> -> memref<1024xf32, #tpu.memory_space<vmem>>
      %dma_start3A_208 = tpu.memref_slice %arg21[%add3A_193] : memref<131072xf32, #tpu.memory_space<vmem_shared>> -> memref<1024xf32, #tpu.memory_space<vmem_shared>>
      tpu.enqueue_dma source(%dma_start3A_208 : memref<1024xf32, #tpu.memory_space<vmem_shared>>) target(%dma_start3A_207 : memref<1024xf32, #tpu.memory_space<vmem>>) target_semaphore(%run_scoped3A_200 : memref<!tpu.dma_semaphore, #tpu.memory_space<semaphore_mem>>)
      %dma_wait3A_209 = arith.constant 0 : i32
      %dma_wait3A_210 = tpu.memref_slice %arg17[%run_scoped3A_194, %dma_wait3A_209] : memref<8x1024xf32, #tpu.memory_space<vmem>> -> memref<1x1024xf32, #tpu.memory_space<vmem>>
      %dma_wait3A_211 = tpu.memref_squeeze %dma_wait3A_210 : memref<1x1024xf32, #tpu.memory_space<vmem>> -> memref<1024xf32, #tpu.memory_space<vmem>>
      %dma_wait3A_212 = tpu.memref_slice %arg21[%add3A_193] : memref<131072xf32, #tpu.memory_space<vmem_shared>> -> memref<1024xf32, #tpu.memory_space<vmem_shared>>
      %dma_wait3A_213 = arith.constant 0 : i32
      %dma_wait3A_214 = tpu.memref_slice %arg17[%run_scoped3A_194, %dma_wait3A_213] : memref<8x1024xf32, #tpu.memory_space<vmem>> -> memref<1x1024xf32, #tpu.memory_space<vmem>>
      %dma_wait3A_215 = tpu.memref_squeeze %dma_wait3A_214 : memref<1x1024xf32, #tpu.memory_space<vmem>> -> memref<1024xf32, #tpu.memory_space<vmem>>
      %dma_wait3A_216 = tpu.memref_slice %arg21[%add3A_193] : memref<131072xf32, #tpu.memory_space<vmem_shared>> -> memref<1024xf32, #tpu.memory_space<vmem_shared>>
      tpu.wait_dma2 semaphore(%run_scoped3A_200 : memref<!tpu.dma_semaphore, #tpu.memory_space<semaphore_mem>>) src(%dma_wait3A_216 : memref<1024xf32, #tpu.memory_space<vmem_shared>>) dst(%dma_wait3A_215 : memref<1024xf32, #tpu.memory_space<vmem>>)
      tpu.yield
    }) : () -> ()
    %parallel_loop3A_195 = arith.constant 0 : i32
    %parallel_loop3A_196 = arith.constant 1024 : i32
    %parallel_loop3A_197 = arith.constant 16 : i32
    scf.for %parallel_loop3A_200 = %parallel_loop3A_195 to %parallel_loop3A_196 step %parallel_loop3A_197  : i32 {
      %parallel_loop3A_201 = arith.constant 0 : i32
      %parallel_loop3A_202 = arith.index_cast %parallel_loop3A_201 : i32 to index
      %parallel_loop3A_203 = arith.index_cast %parallel_loop3A_200 : i32 to index
      %parallel_loop3A_204 = tpu.vector_load %arg17[%parallel_loop3A_202, %parallel_loop3A_203] {strides = array<i32>} : memref<8x1024xf32, #tpu.memory_space<vmem>>, vector<16xf32>,
      %parallel_loop3A_205 = arith.constant 1 : i32
      %parallel_loop3A_206 = arith.index_cast %parallel_loop3A_205 : i32 to index
      %parallel_loop3A_207 = arith.index_cast %parallel_loop3A_200 : i32 to index
      %parallel_loop3A_208 = tpu.vector_load %arg17[%parallel_loop3A_206, %parallel_loop3A_207] {strides = array<i32>} : memref<8x1024xf32, #tpu.memory_space<vmem>>, vector<16xf32>,
      %parallel_loop3A_209 = arith.addf %parallel_loop3A_204, %parallel_loop3A_208 : vector<16xf32>
      %parallel_loop3A_210 = arith.constant 2 : i32
      %parallel_loop3A_211 = arith.index_cast %parallel_loop3A_210 : i32 to index
      %parallel_loop3A_212 = arith.index_cast %parallel_loop3A_200 : i32 to index
      %parallel_loop3A_213 = tpu.vector_load %arg17[%parallel_loop3A_211, %parallel_loop3A_212] {strides = array<i32>} : memref<8x1024xf32, #tpu.memory_space<vmem>>, vector<16xf32>,
      %parallel_loop3A_214 = arith.addf %parallel_loop3A_209, %parallel_loop3A_213 : vector<16xf32>
      %parallel_loop3A_215 = arith.constant 3 : i32
      %parallel_loop3A_216 = arith.index_cast %parallel_loop3A_215 : i32 to index
      %parallel_loop3A_217 = arith.index_cast %parallel_loop3A_200 : i32 to index
      %parallel_loop3A_218 = tpu.vector_load %arg17[%parallel_loop3A_216, %parallel_loop3A_217] {strides = array<i32>} : memref<8x1024xf32, #tpu.memory_space<vmem>>, vector<16xf32>,
      %parallel_loop3A_219 = arith.addf %parallel_loop3A_214, %parallel_loop3A_218 : vector<16xf32>
      %parallel_loop3A_220 = arith.constant 4 : i32
      %parallel_loop3A_221 = arith.index_cast %parallel_loop3A_220 : i32 to index
      %parallel_loop3A_222 = arith.index_cast %parallel_loop3A_200 : i32 to index
      %parallel_loop3A_223 = tpu.vector_load %arg17[%parallel_loop3A_221, %parallel_loop3A_222] {strides = array<i32>} : memref<8x1024xf32, #tpu.memory_space<vmem>>, vector<16xf32>,
      %parallel_loop3A_224 = arith.addf %parallel_loop3A_219, %parallel_loop3A_223 : vector<16xf32>
      %parallel_loop3A_225 = arith.constant 5 : i32
      %parallel_loop3A_226 = arith.index_cast %parallel_loop3A_225 : i32 to index
      %parallel_loop3A_227 = arith.index_cast %parallel_loop3A_200 : i32 to index
      %parallel_loop3A_228 = tpu.vector_load %arg17[%parallel_loop3A_226, %parallel_loop3A_227] {strides = array<i32>} : memref<8x1024xf32, #tpu.memory_space<vmem>>, vector<16xf32>,
      %parallel_loop3A_229 = arith.addf %parallel_loop3A_224, %parallel_loop3A_228 : vector<16xf32>
      %parallel_loop3A_230 = arith.constant 6 : i32
      %parallel_loop3A_231 = arith.index_cast %parallel_loop3A_230 : i32 to index
      %parallel_loop3A_232 = arith.index_cast %parallel_loop3A_200 : i32 to index
      %parallel_loop3A_233 = tpu.vector_load %arg17[%parallel_loop3A_231, %parallel_loop3A_232] {strides = array<i32>} : memref<8x1024xf32, #tpu.memory_space<vmem>>, vector<16xf32>,
      %parallel_loop3A_234 = arith.addf %parallel_loop3A_229, %parallel_loop3A_233 : vector<16xf32>
      %parallel_loop3A_235 = arith.constant 7 : i32
      %parallel_loop3A_236 = arith.index_cast %parallel_loop3A_235 : i32 to index
      %parallel_loop3A_237 = arith.index_cast %parallel_loop3A_200 : i32 to index
      %parallel_loop3A_238 = tpu.vector_load %arg17[%parallel_loop3A_236, %parallel_loop3A_237] {strides = array<i32>} : memref<8x1024xf32, #tpu.memory_space<vmem>>, vector<16xf32>,
      %parallel_loop3A_239 = arith.addf %parallel_loop3A_234, %parallel_loop3A_238 : vector<16xf32>
      %parallel_loop3A_240 = arith.constant 0.000000e+00 : f32
      %parallel_loop3A_241 = vector.broadcast %parallel_loop3A_240 : f32 to vector<16xf32>
      %parallel_loop3A_242 = arith.cmpf oeq, %parallel_loop3A_239, %parallel_loop3A_241 : vector<16xf32>
      %parallel_loop3A_243 = arith.extui %parallel_loop3A_242 : vector<16xi1> to vector<16xi32>
      %parallel_loop3A_244 = arith.index_cast %parallel_loop3A_200 : i32 to index
      %parallel_loop3A_245 = tpu.vector_load %arg18[%parallel_loop3A_244] {strides = array<i32>} : memref<1024xi32, #tpu.memory_space<vmem>>, vector<16xi32>,
      tpu.vector_store %arg18[%parallel_loop3A_244], %parallel_loop3A_243 {strides = array<i32>} : memref<1024xi32, #tpu.memory_space<vmem>>, vector<16xi32>,
    } {sc.loop_unroll_factor = 2 : i64, sc.parallel_access}
    %mul3A_198 = arith.constant 1024 : i32
    %mul3A_199 = arith.muli %arg1, %mul3A_198 : i32
    "tpu.region"() ({
      %run_scoped3A_200 = tpu.sem_alloc : memref<!tpu.dma_semaphore, #tpu.memory_space<semaphore_mem>>
      %dma_start3A_201 = tpu.memref_slice %arg6[%mul3A_199] : memref<16384xi32, #tpu.memory_space<hbm>> -> memref<1024xi32, #tpu.memory_space<hbm>>
      %dma_start3A_202 = tpu.memref_slice %arg6[%mul3A_199] : memref<16384xi32, #tpu.memory_space<hbm>> -> memref<1024xi32, #tpu.memory_space<hbm>>
      tpu.enqueue_dma source(%arg18 : memref<1024xi32, #tpu.memory_space<vmem>>) target(%dma_start3A_202 : memref<1024xi32, #tpu.memory_space<hbm>>) target_semaphore(%run_scoped3A_200 : memref<!tpu.dma_semaphore, #tpu.memory_space<semaphore_mem>>)
      %dma_wait3A_203 = tpu.memref_slice %arg6[%mul3A_199] : memref<16384xi32, #tpu.memory_space<hbm>> -> memref<1024xi32, #tpu.memory_space<hbm>>
      %dma_wait3A_204 = tpu.memref_slice %arg6[%mul3A_199] : memref<16384xi32, #tpu.memory_space<hbm>> -> memref<1024xi32, #tpu.memory_space<hbm>>
      tpu.wait_dma2 semaphore(%run_scoped3A_200 : memref<!tpu.dma_semaphore, #tpu.memory_space<semaphore_mem>>) src(%arg18 : memref<1024xi32, #tpu.memory_space<vmem>>) dst(%dma_wait3A_204 : memref<1024xi32, #tpu.memory_space<hbm>>)
      tpu.yield
    }) : () -> ()
    return
  }
}

</mosaic_0001>

<sc_bundles>
// kernel: _sc_call.3.cloned.1.call-start
scs
__scs_entry_jumppad:
0x0: {  	(pc) =	sbr.rel $0x88, $3  }
0x1: {  	(tag) =	ssettag $0x0;
	lr =	simm.s32 $0x1  }
0x2: {  	[smem:$0x3F9E] =	sst lr;
	_ =	strace $0xD0000000  }
0x3: {  	_ = 	snop  }
0x4: {  	_ = 	snop  }
0x5: {  	_ = 	snop  }
0x6: {  	_ = 	snop  }
0x7: {  	_ = 	snop  }
__scs_overlays_trampoline_lowered:
0x8: {  	[smem:$0x3FAD] =	sst s0  }
0x9: {  	[smem:$0x3FAE] =	sst s1  }
0xa: {  	[smem:$0x3FAF] =	sst s2  }
0xb: {  	[smem:$0x3FB0] =	sst s3  }
0xc: {  	[smem:$0x3FB1] =	sst s4  }
0xd: {  	[smem:$0x3FB2] =	sst s5  }
0xe: {  	[smem:$0x3FB3] =	sst s6  }
0xf: {  	[smem:$0x3FB4] =	sst s7  }
0x10: {  	[smem:$0x3FB5] =	sst s8  }
0x11: {  	[smem:$0x3FB6] =	sst s9;
	s0 =	simm.s32 @!p0 $0x0  }
0x12: {  	s1 =	sld [smem:$0x3F9C];
	s0 =	simm.s32 @p0 $0x1  }
0x13: {  	[smem:$0x3FB7] =	sst s0;
	s0 =	simm.s32 @!p1 $0x0  }
0x14: {  	s2 =	sld [smem:$0x3F9B];
	s0 =	simm.s32 @p1 $0x1  }
0x15: {  	[smem:$0x3FB8] =	sst s0;
	s0 =	simm.s32 @!p2 $0x0  }
0x16: {  	s3 =	sld [smem:$0x3FDB];
	s0 =	simm.s32 @p2 $0x1  }
0x17: {  	s4 =	simm.s32 $0x1BF5;
	[smem:$0x3FBA] =	sst s0  }
0x18: {  	s0 =	sld [smem:$0x3F9D];
	_ =	swait.ge [sflag:s4], $0x0  }
0x19: {  	s7 =	sld [smem:$0x3F9E]  }
0x1a: {  	s8 =	sadd.s32 $0xFFFFE003, lr  }
0x1b: {  	s9 =	sadd.s32 $0xFFFFFEF7, lr;
	s5 =	simm.s32 $0xFFFFFFFF;
	p2 =	slt.u32 s8, $0xFFFFF086  }
0x1c: {  	p1 =	slt.u32 s9, $0xF7A;
	s5 =	simm.s32 @!p2 $0x0  }
0x1d: {  	s5 =	simm.s32 @p1 $0x1;
	p0 =	seq.s32 s7, s2  }
0x1e: {  	s7 =	smul.u32 @!p0 $0xF7A, s2;
	p2 =	seq.s32 @!p0 s5, $0x0  }
0x1f: {  	s9 =	smul.u32 $0xF7A, s1;
	s8 =	simm.s32 @!p0 $0x1BF5;
	p2 =	por !p2, p0  }
0x20: {  	[sflag:s8] =	ssyncset.s32 @!p0 $0xFFFFF086;
	s6 =	sadd.s32 @!p0 s3, s7;
	s7 =	simm.s32 @!p0 $0x108  }
0x21: {  	s3 =	sadd.s32 s3, s9;
	s6 =	sadd.s32 @!p0 $0x88, s6;
	s7 =	simm.s32 @p2 $0x1082  }
0x22: {  	[simem:s7], [sflag:s8] =	dma.local @!p0 [hbm:s6], $0xF7A  }
0x23: {  	s9 =	sor.u32 $0xD0000000, s2;
	s6 =	simm.s32 $0x108;
	_ =	swait.ge @!p0 [sflag:s8], $0x0  }
0x24: {  	s3 =	sadd.s32 $0x88, s3;
	s6 =	simm.s32 @!p1 $0x1082;
	[sflag:s4] =	ssyncset.s32 $0xFFFFF086  }
0x25: {  	[simem:s6], [sflag:s4] =	dma.local [hbm:s3], $0xF7A  }
0x26: {  	[smem:$0x3F9E] =	sst s1;
	(tag) =	ssettag s2;
	_ =	strace s9  }
0x27: {  	s1 =	sld [smem:$0x3FAE]  }
0x28: {  	s2 =	sld [smem:$0x3FAF]  }
0x29: {  	s4 =	sld [smem:$0x3FB1]  }
0x2a: {  	p0 =	seq.s32 s5, $0x0;
	s5 =	sld [smem:$0x3FB2]  }
0x2b: {  	s6 =	sld [smem:$0x3FB3]  }
0x2c: {  	s7 =	sld [smem:$0x3FB4]  }
0x2d: {  	s3 =	simm.s32 $0x108;
	s8 =	sld [smem:$0x3FB5]  }
0x2e: {  	s3 =	simm.s32 @!p0 $0x1082;
	s9 =	sld [smem:$0x3FB6]  }
0x2f: {  	lr =	sadd.s32 s0, s3;
	s0 =	sld [smem:$0x3FAD]  }
0x30: {  	s3 =	sld [smem:$0x3FB0]  }
0x31: {  	[smem:$0x3FB9] =	sst s10  }
0x32: {  	s10 =	sld [smem:$0x3FB7];
	_ =	sdelay $0x3  }
0x33: {  	p0 =	seq.s32 s10, $0x1;
	s10 =	sld [smem:$0x3FB9];
	_ =	sdelay $0x3  }
0x34: {  	[smem:$0x3FB9] =	sst s10  }
0x35: {  	s10 =	sld [smem:$0x3FB8];
	_ =	sdelay $0x3  }
0x36: {  	p1 =	seq.s32 s10, $0x1;
	s10 =	sld [smem:$0x3FB9];
	_ =	sdelay $0x3  }
0x37: {  	[smem:$0x3FB9] =	sst s10  }
0x38: {  	s10 =	sld [smem:$0x3FBA]  }
0x39: {  	_ = 	snop;
	(pc) =	sbr.ind lr, $3  }
0x3a: {  	_ = 	snop  }
0x3b: {  	_ = 	snop  }
0x3c: {  	p2 =	seq.s32 s10, $0x1;
	s10 =	sld [smem:$0x3FB9]  }
0x3d: {  	_ =	shalt  }
0x3e: {  	_ =	shalt  }
0x3f: {  	_ =	shalt  }
0x40: {  	_ =	shalt  }
0x41: {  	_ =	shalt  }
0x42: {  	_ =	shalt  }
0x43: {  	_ =	shalt  }
0x44: {  	_ =	shalt  }
0x45: {  	_ =	shalt  }
0x46: {  	_ =	shalt  }
0x47: {  	_ =	shalt  }
0x48: {  	_ =	shalt  }
0x49: {  	_ =	shalt  }
0x4a: {  	_ =	shalt  }
0x4b: {  	_ =	shalt  }
0x4c: {  	_ =	shalt  }
0x4d: {  	_ =	shalt  }
0x4e: {  	_ =	shalt  }
0x4f: {  	_ =	shalt  }
0x50: {  	_ =	shalt  }
0x51: {  	_ =	shalt  }
0x52: {  	_ =	shalt  }
0x53: {  	_ =	shalt  }
0x54: {  	_ =	shalt  }
0x55: {  	_ =	shalt  }
0x56: {  	_ =	shalt  }
0x57: {  	_ =	shalt  }
0x58: {  	_ =	shalt  }
0x59: {  	_ =	shalt  }
0x5a: {  	_ =	shalt  }
0x5b: {  	_ =	shalt  }
0x5c: {  	_ =	shalt  }
0x5d: {  	_ =	shalt  }
0x5e: {  	_ =	shalt  }
0x5f: {  	_ =	shalt  }
0x60: {  	_ =	shalt  }
0x61: {  	_ =	shalt  }
0x62: {  	_ =	shalt  }
0x63: {  	_ =	shalt  }
0x64: {  	_ =	shalt  }
0x65: {  	_ =	shalt  }
0x66: {  	_ =	shalt  }
0x67: {  	_ =	shalt  }
0x68: {  	_ =	shalt  }
0x69: {  	_ =	shalt  }
0x6a: {  	_ =	shalt  }
0x6b: {  	_ =	shalt  }
0x6c: {  	_ =	shalt  }
0x6d: {  	_ =	shalt  }
0x6e: {  	_ =	shalt  }
0x6f: {  	_ =	shalt  }
0x70: {  	_ =	shalt  }
0x71: {  	_ =	shalt  }
0x72: {  	_ =	shalt  }
0x73: {  	_ =	shalt  }
0x74: {  	_ =	shalt  }
0x75: {  	_ =	shalt  }
0x76: {  	_ =	shalt  }
0x77: {  	_ =	shalt  }
0x78: {  	_ =	shalt  }
0x79: {  	_ =	shalt  }
0x7a: {  	_ =	shalt  }
0x7b: {  	_ =	shalt  }
0x7c: {  	_ =	shalt  }
0x7d: {  	_ =	shalt  }
0x7e: {  	_ =	shalt  }
0x7f: {  	_ =	shalt  }
0x80: {  	_ =	shalt  }
0x81: {  	_ =	shalt  }
0x82: {  	_ =	shalt  }
0x83: {  	_ =	shalt  }
0x84: {  	_ =	shalt  }
0x85: {  	_ =	shalt  }
0x86: {  	_ =	shalt  }
0x87: {  	_ =	shalt  }
.Lfunc_end0:
.L_simem_size_0:
called_computation_lowered:
.L_overlay_start_0:
0x88: {  	s0 =	sld [smem:$0x3FD9]  }
0x89: {  	s1 =	sld [smem:$0x3FFE];
	_ =	sdelay $0x3  }
0x8a: {  	s0 =	sadd.s32 s1, s0  }
0x8b: {  	[smem:$0x3FC5] =	sst s0  }
0x8c: {  	_ = 	snop  }
0x8d: {  	s0 =	sld [smem:$0x3FD0]  }
0x8e: {  	s14 =	sld [smem:$0x3FC9]  }
0x8f: {  	s2 =	sld [smem:$0x3FC8]  }
0x90: {  	s4 =	simm.s32 $0xA;
	s5 =	simm.s32 $0x10;
	s3 =	sld [smem:$0x3FC7]  }
0x91: {  	[smem:s5], [sflag:s4] =	dma.local [hbm:s0], $0x1  }
0x92: {  	_ =	swait.eq [sflag:s4], $0x1  }
0x93: {  	[sflag:s4] =	ssyncset.done $0x0  }
0x94: {  	s15 =	sld [smem:$0x10];
	[sflag:s4] =	ssyncadd.s32 $0xFFFFFFFF  }
0x95: {  	s16 =	sld [smem:$0x11];
	(tm) =	ssettm $0x1  }
0x96: {  	s17 =	sld [smem:$0x3FFB];
	_ =	sdelay $0x3  }
0x97: {  	_ =	strace s17  }
0x98: {  	s5 =	sld [smem:$0x3FFC];
	_ =	sdelay $0x3  }
0x99: {  	_ =	strace s5  }
0x9a: {  	s5 =	sld [smem:$0x3FFD];
	_ =	sdelay $0x3  }
0x9b: {  	_ =	strace s5  }
0x9c: {  	_ =	strace $0x8FFFFFFF  }
0x9d: {  	s18 =	sld [smem:$0x3FDB];
	_ =	sdelay $0x1  }
0x9e: {  	s6 =	simm.s32 $_scs_section_size  }
0x9f: {  	s7 =	simm.s32 $_size__tile_overlayer_lowered;
	s8 =	simm.s32 $_tile_overlayer_lowered  }
0xa0: {  	s21 =	simm.s32 $0x1BFF;
	s20 =	sshll.u32 s8, $0x1;
	s5 =	sadd.s32 s6, s18  }
0xa1: {  	s9 =	simm.s32 $0x0;
	s19 =	sshll.u32 s7, $0x1;
	s7 =	sadd.s32 s20, s5  }
0xa2: {  	[timem:s9], [sflag:s21] =	dma.local [hbm:s7], s19  }
0xa3: {  	_ =	swait.ge [sflag:s21], s19  }
0xa4: {  	s6 =	ssub.s32 $0x0, s19;
	[sflag:s21] =	ssyncset.done $0x0  }
0xa5: {  	[sflag:s21] =	ssyncadd.s32 s6;
	_ =	sdelay $0x1  }
0xa6: {  	s22 =	simm.s32 $0x1B8B  }
0xa7: {  	_ =	swait.ge [sflag:s22], $0x1  }
0xa8: {  	[sflag:s22] =	ssyncset.done $0x0  }
0xa9: {  	s23 =	simm.s32 $0x1B8E;
	[sflag:s22] =	ssyncadd.s32 $0xFFFFFFFF  }
0xaa: {  	s24 =	simm.s32 $execute0_lowered;
	[smem:$0x3FD2] =	sst s23  }
0xab: {  	s6 =	sshll.u32 s24, $0x1;
	_ =	strace $0x80000046;
	[dreg:$0x1] =	wrdreg $0xFFFFFFFF  }
0xac: {  	s25 =	simm.s32 $_size_execute0_lowered;
	s5 =	sadd.s32 s5, s6;
	[dreg:$0x0] =	wrdreg $0x0  }
0xad: {  	s6 =	sshll.u32 s25, $0x1;
	[dreg:$0x2] =	wrdreg s5  }
0xae: {  	[dreg:$0x3] =	wrdreg s6  }
0xaf: {  	[dreg:$0x4] =	wrdreg $0xC0  }
0xb0: {  	_ =	task [dreg:s9], $0x5FFFF  }
0xb1: {  	[dreg:$0x1] =	wrdreg $0xFFFFFFFF  }
0xb2: {  	[dreg:$0x0] =	wrdreg $0x60  }
0xb3: {  	[dreg:$0x2] =	wrdreg s14  }
0xb4: {  	[dreg:$0x3] =	wrdreg s2  }
0xb5: {  	[dreg:$0x4] =	wrdreg s3  }
0xb6: {  	[dreg:$0x5] =	wrdreg s15  }
0xb7: {  	[dreg:$0x6] =	wrdreg s16  }
0xb8: {  	[dreg:$0x7] =	wrdreg $0xCD800  }
0xb9: {  	[dreg:$0x8] =	wrdreg $0xCDC00  }
0xba: {  	[dreg:$0x9] =	wrdreg $0x9  }
0xbb: {  	_ =	task.clear_ibuf [dreg:s9], $0xAFFFF;
	_ =	strace $0x90000046  }
0xbc: {  	s26 =	simm.s32 $0x9;
	_ =	strace $0x80000048  }
0xbd: {  	_ =	swait.ge [sflag:s26], $0x1  }
0xbe: {  	[sflag:s26] =	ssyncadd.s32 $0xFFFFFFFF  }
0xbf: {  	_ =	strace $0x90000048  }
0xc0: {  	_ =	sfence  }
0xc1: {  	s28 =	sld [smem:$0x0];
	_ =	sdelay $0x1  }
0xc2: {  	s29 =	srdreg.scid  }
0xc3: {  	s30 =	sshll.u32 s29, $0xD;
	s31 =	sshrl.u32 s29, $0x2  }
0xc4: {  	s1 =	sand.u32 $0x1, s29;
	s2 =	sand.u32 $0x4000, s30;
	s0 =	sadd.s32 s31, s28  }
0xc5: {  	s1 =	sor.u32 s2, s1;
	s0 =	sshll.u32 s0, $0x11  }
0xc6: {  	s0 =	sor.u32 s0, s1  }
0xc7: {  	s0 =	sadd.s32 $0x8F2B, s0  }
0xc8: {  	[sflag:s0] =	ssyncadd.remote.s32 $0x1  }
0xc9: {  	_ =	sfence.sel $0xFFFF  }
0xca: {  	[dreg:$0x0] =	wrdreg $0xFFFFFFFF;
	(pc) =	sbr.abs _section_cstart, $3  }
0xcb: {  	[dreg:$0x1] =	wrdreg $0xFFFFFFFF  }
0xcc: {  	_ =	task.clear_ibuf [dreg:s9], $0x2FFFF;
	_ =	strace $0x9FFFFFFF  }
0xcd: {  	(tm) =	ssettm $0x7FFFFFFF  }
tec
execute0_lowered:
.L_overlay_start_1:
0x0: {  	(tag) =	ssettag $0x1  }
0x1: {  	s8 =	rddreg [dreg:$0x0]  }
0x2: {  	s9 =	rddreg [dreg:$0x1]  }
0x3: {  	s10 =	rddreg [dreg:$0x2]  }
0x4: {  	s5 =	rddreg [dreg:$0x3]  }
0x5: {  	s2 =	rddreg [dreg:$0x4]  }
0x6: {  	s7 =	rddreg [dreg:$0x5]  }
0x7: {  	s3 =	rddreg [dreg:$0x6]  }
0x8: {  	s0 =	rddreg [dreg:$0x7];
	s6 =	simm.s32 $0x0;
	s1 =	stileid.u32  }
0x9: {  	[smem:$0x7FF] =	sst s6;
	s4 =	sshll.u32 s1, $0xA  }
0xa: {  	s30 =	simm.s32 $0x2;
	_ =	strace $0x80000047;
	s8 =	sadd.s32 s8, s4  }
0xb: {  	[tilespmem:s6], [sflag:$0x2] =	stream.linear.gather [hbm4b:s8+s6], $0x2000, $0x38;
	[tilespmem:$0xEDC0] =	vst v63  }
0xc: {  	_ =	swait.ge [sflag:s30], $0x2000  }
0xd: {  	[sflag:s30] =	ssyncset.done $0x0  }
0xe: {  	s11 =	simm.s32 $0x2000;
	s9 =	sadd.s32 s9, s4;
	[sflag:s30] =	ssyncadd.s32 $0xFFFFE000  }
0xf: {  	[tilespmem:s11], [sflag:$0x1] =	stream.linear.gather [hbm4b:s9+s6], $0x2000, $0x38;
	[tilespmem:$0xEDC0] =	vst v63  }
0x10: {  	s31 =	simm.s32 $0xA900  }
0x11: {  	[tilespmem:s31], [sflag:$0x2] =	stream.linear.gather [hbm4b:s10+s6], $0x80, $0x38;
	[tilespmem:$0xEDC0] =	vst v63  }
0x12: {  	_ =	swait.ge [sflag:s30], $0x80  }
0x13: {  	[sflag:s30] =	ssyncset.done $0x0  }
0x14: {  	v0 =	vimm.s32 $0x0;
	s8 =	simm.s32 $0xFFFFFFF0;
	s9 =	simm.s32 $0x8000;
	[sflag:s30] =	ssyncadd.s32 $0xFFFFFF80  }
.LBB2_1:
0x15: {  	s8 =	sadd.s32 $0x10, s8  }
0x16: {  	p0 =	slt.u32 s8, $0xFF0  }
.Ltmp0:
0x17: {  	_ = 	snop;
	(pc) =	sbr.rel @p0 .LBB2_1-.Ltmp0, $2  }
0x18: {  	_ =	sdelay $0x2  }
0x19: {  	[tilespmem:s9+$0x0] =	vst v0;
	s9 =	sadd.s32 $0x10, s9  }
0x1a: {  	v0 =	vlaneseq.u32  }
0x1b: {  	v1 =	vmul.u32 $0x80, v0;
	_ =	sdelay $0x1  }
0x1c: {  	v8 =	vor.u32 s6, v1;
	_ =	sdelay $0x1  }
0x1d: {  	s29 =	simm.s32 $0x800  }
0x1e: {  	v17 =	vor.u32 s29, v1  }
0x1f: {  	s8 =	simm.s32 $0x1000;
	s6 =	simm.s32 $0x0  }
0x20: {  	v6 =	vor.u32 s8, v1;
	v2 =	vld.idx.msk [tilespmem:v8+s6+$0x0], $0xffff  }
0x21: {  	s30 =	simm.s32 $0x1800  }
0x22: {  	v5 =	vor.u32 s30, v1  }
0x23: {  	v3 =	vld.idx.msk [tilespmem:v17+s6+$0x0], $0xffff;
	_ =	sdelay $0x1  }
0x24: {  	v7 =	vld.idx.msk [tilespmem:v6+s6+$0x0], $0xffff;
	v2 =	vshll.u32 v2, $0x4  }
0x25: {  	v12 =	vor.u32 v0, v2  }
0x26: {  	v9 =	vld.idx.msk [tilespmem:v5+s6+$0x0], $0xffff  }
0x27: {  	v3 =	vshll.u32 v3, $0x4;
	v2 =	vor.u32 $0x400, v0  }
0x28: {  	v11 =	vadd.s32 v2, v3  }
0x29: {  	v4 =	vor.u32 $0x800, v0;
	s8 =	simm.s32 $0x8000;
	v7 =	vshll.u32 v7, $0x4  }
0x2a: {  	v10 =	vadd.s32 v4, v7;
	v14 =	vld.idx.msk [tilespmem:v12+s8+$0x0], $0xffff  }
0x2b: {  	v7 =	vshll.u32 v9, $0x4;
	v3 =	vor.u32 $0xC00, v0  }
0x2c: {  	s9 =	simm.s32 $0x1;
	v9 =	vadd.s32 v3, v7  }
0x2d: {  	v7 =	vor.u32 s9, v1;
	v18 =	vld.idx.msk [tilespmem:v11+s8+$0x0], $0xffff  }
0x2e: {  	s10 =	simm.s32 $0x801;
	s9 =	simm.s32 $0x4000  }
0x2f: {  	v16 =	vor.u32 s10, v1;
	v13 =	vld.idx.msk [tilespmem:v10+s8+$0x0], $0xffff;
	[tilespmem:v8+s9+$0x0] =	vst.idx.msk $0xffff, v14;
	v8 =	vadd.s32 $0x1, v14;
	_ =	sdelay $0x1  }
0x30: {  	s31 =	simm.s32 $0x1001;
	v14 =	vld.idx.msk [tilespmem:v9+s8+$0x0], $0xffff;
	[tilespmem:v12+s8+$0x0] =	vst.idx.msk $0xffff, v8  }
0x31: {  	s11 =	simm.s32 $0x1801;
	s10 =	simm.s32 $0x2;
	v12 =	vor.u32 s31, v1;
	[tilespmem:v17+s9+$0x0] =	vst.idx.msk $0xffff, v18;
	v17 =	vadd.s32 $0x1, v18;
	v15 =	vld.idx.msk [tilespmem:v7+s6+$0x0], $0xffff;
	v8 =	vmov v16  }
.LBB2_3:
0x32: {  	p0 =	sne.s32 s10, $0x7F;
	v18 =	vor.u32 s11, v1;
	[tilespmem:v11+s8+$0x0] =	vst.idx.msk $0xffff, v17  }
0x33: {  	v11 =	vld.idx.msk [tilespmem:v16+s6+$0x0], $0xffff;
	[tilespmem:v6+s9+$0x0] =	vst.idx.msk $0xffff, v13;
	v13 =	vadd.s32 $0x1, v13;
	v6 =	vmov v12  }
0x34: {  	[tilespmem:v10+s8+$0x0] =	vst.idx.msk $0xffff, v13  }
0x35: {  	v10 =	vld.idx.msk [tilespmem:v12+s6+$0x0], $0xffff;
	[tilespmem:v5+s9+$0x0] =	vst.idx.msk $0xffff, v14;
	v12 =	vadd.s32 $0x1, v14;
	v5 =	vmov v18  }
0x36: {  	[tilespmem:v9+s8+$0x0] =	vst.idx.msk $0xffff, v12  }
0x37: {  	v9 =	vshll.u32 v15, $0x4;
	v12 =	vld.idx.msk [tilespmem:v18+s6+$0x0], $0xffff  }
0x38: {  	v15 =	vor.u32 v0, v9  }
0x39: {  	v9 =	vshll.u32 v11, $0x4  }
0x3a: {  	v11 =	vadd.s32 v2, v9  }
0x3b: {  	v9 =	vshll.u32 v10, $0x4  }
0x3c: {  	v10 =	vadd.s32 v4, v9  }
0x3d: {  	v9 =	vshll.u32 v12, $0x4;
	v14 =	vld.idx.msk [tilespmem:v15+s8+$0x0], $0xffff  }
0x3e: {  	v9 =	vadd.s32 v3, v9  }
0x3f: {  	v17 =	vld.idx.msk [tilespmem:v11+s8+$0x0], $0xffff  }
0x40: {  	v18 =	vor.u32 s10, v1  }
.Ltmp1:
0x41: {  	s11 =	sadd.s32 $0x800, s10;
	v13 =	vld.idx.msk [tilespmem:v10+s8+$0x0], $0xffff;
	(pc) =	sbr.rel @p0 .LBB2_3-.Ltmp1, $4  }
0x42: {  	v16 =	vor.u32 s11, v1  }
0x43: {  	s11 =	sadd.s32 $0x1000, s10;
	v19 =	vadd.s32 $0x1, v14;
	[tilespmem:v7+s9+$0x0] =	vst.idx.msk $0xffff, v14;
	v14 =	vld.idx.msk [tilespmem:v9+s8+$0x0], $0xffff;
	v7 =	vmov v18  }
0x44: {  	v12 =	vor.u32 s11, v1;
	[tilespmem:v15+s8+$0x0] =	vst.idx.msk $0xffff, v19  }
0x45: {  	s11 =	sadd.s32 $0x1800, s10;
	s10 =	sadd.s32 $0x1, s10;
	v15 =	vld.idx.msk [tilespmem:v18+s6+$0x0], $0xffff;
	[tilespmem:v8+s9+$0x0] =	vst.idx.msk $0xffff, v17;
	v17 =	vadd.s32 $0x1, v17;
	v8 =	vmov v16  }
0x46: {  	_ =	sdelay $0x3  }
0x47: {  	v1 =	vor.u32 s11, v1;
	[tilespmem:v11+s8+$0x0] =	vst.idx.msk $0xffff, v17  }
0x48: {  	[tilespmem:v6+s9+$0x0] =	vst.idx.msk $0xffff, v13;
	v51 =	vadd.s32 $0x1, v13;
	v11 =	vld.idx.msk [tilespmem:v16+s6+$0x0], $0xffff  }
0x49: {  	[tilespmem:v10+s8+$0x0] =	vst.idx.msk $0xffff, v51  }
0x4a: {  	v6 =	vld.idx.msk [tilespmem:v12+s6+$0x0], $0xffff;
	[tilespmem:v5+s9+$0x0] =	vst.idx.msk $0xffff, v14;
	v52 =	vadd.s32 $0x1, v14  }
0x4b: {  	[tilespmem:v9+s8+$0x0] =	vst.idx.msk $0xffff, v52;
	v53 =	vshll.u32 v15, $0x4  }
0x4c: {  	v9 =	vld.idx.msk [tilespmem:v1+s6+$0x0], $0xffff;
	v0 =	vor.u32 v0, v53  }
0x4d: {  	v54 =	vshll.u32 v11, $0x4  }
0x4e: {  	v2 =	vadd.s32 v2, v54  }
0x4f: {  	v55 =	vshll.u32 v6, $0x4  }
0x50: {  	v4 =	vadd.s32 v4, v55  }
0x51: {  	v56 =	vld.idx.msk [tilespmem:v0+s8+$0x0], $0xffff;
	v57 =	vshll.u32 v9, $0x4  }
0x52: {  	v3 =	vadd.s32 v3, v57  }
0x53: {  	v58 =	vld.idx.msk [tilespmem:v2+s8+$0x0], $0xffff;
	_ =	sdelay $0x1  }
0x54: {  	v59 =	vld.idx.msk [tilespmem:v4+s8+$0x0], $0xffff  }
0x55: {  	v60 =	vlaneseq.u32;
	[tilespmem:v7+s9+$0x0] =	vst.idx.msk $0xffff, v56;
	v5 =	vadd.s32 $0x1, v56  }
0x56: {  	v61 =	vld.idx.msk [tilespmem:v3+s8+$0x0], $0xffff;
	[tilespmem:v0+s8+$0x0] =	vst.idx.msk $0xffff, v5;
	v0 =	vmul.u32 $0x10, v60  }
0x57: {  	[tilespmem:v8+s9+$0x0] =	vst.idx.msk $0xffff, v58;
	v62 =	vadd.s32 $0x1, v58  }
0x58: {  	[tilespmem:v2+s8+$0x0] =	vst.idx.msk $0xffff, v62;
	v2 =	vor.u32 s6, v0  }
0x59: {  	[tilespmem:v12+s9+$0x0] =	vst.idx.msk $0xffff, v59;
	v63 =	vadd.s32 $0x1, v59  }
0x5a: {  	[tilespmem:v4+s8+$0x0] =	vst.idx.msk $0xffff, v63  }
0x5b: {  	[tilespmem:v1+s9+$0x0] =	vst.idx.msk $0xffff, v61;
	v1 =	vadd.s32 $0x1, v61  }
0x5c: {  	s6 =	simm.s32 $0x8000;
	[tilespmem:v3+s8+$0x0] =	vst.idx.msk $0xffff, v1  }
0x5d: {  	v1 =	vimm.s32 $0x0;
	s8 =	simm.s32 $0x1;
	v2 =	vld.idx.msk [tilespmem:v2+s6+$0x0], $0xffff  }
.LBB2_5:
0x5e: {  	v3 =	vor.u32 s8, v0;
	p0 =	sne.s32 s8, $0xF;
	s8 =	sadd.s32 $0x1, s8  }
.Ltmp2:
0x5f: {  	(pc) =	sbr.rel @p0 .LBB2_5-.Ltmp2, $2  }
0x60: {  	_ =	sdelay $0x2  }
0x61: {  	v1 =	vadd.s32 v1, v2;
	v2 =	vld.idx.msk [tilespmem:v3+s6+$0x0], $0xffff  }
0x62: {  	v0 =	vlaneseq.u32  }
0x63: {  	v0 =	vmul.u32 $0x10, v0;
	_ =	sdelay $0x1  }
0x64: {  	s6 =	simm.s32 $0x0;
	v3 =	vor.u32 $0x400, v0  }
0x65: {  	v4 =	vor.u32 s6, v3;
	_ =	sdelay $0x3  }
0x66: {  	s6 =	simm.s32 $0x8000  }
0x67: {  	s8 =	simm.s32 $0x1;
	v0 =	vadd.s32 v1, v2;
	v1 =	vld.idx.msk [tilespmem:v4+s6+$0x0], $0xffff  }
.LBB2_7:
0x68: {  	v2 =	vor.u32 s8, v3;
	p0 =	sne.s32 s8, $0xF;
	s8 =	sadd.s32 $0x1, s8  }
.Ltmp3:
0x69: {  	(pc) =	sbr.rel @p0 .LBB2_7-.Ltmp3, $2  }
0x6a: {  	_ =	sdelay $0x2  }
0x6b: {  	v0 =	vadd.s32 v0, v1;
	v1 =	vld.idx.msk [tilespmem:v2+s6+$0x0], $0xffff  }
0x6c: {  	v2 =	vlaneseq.u32  }
0x6d: {  	v2 =	vmul.u32 $0x10, v2;
	_ =	sdelay $0x1  }
0x6e: {  	s6 =	simm.s32 $0x0;
	v2 =	vor.u32 $0x800, v2  }
0x6f: {  	v3 =	vor.u32 s6, v2;
	_ =	sdelay $0x3  }
0x70: {  	s6 =	simm.s32 $0x8000  }
0x71: {  	s8 =	simm.s32 $0x1;
	v0 =	vadd.s32 v0, v1;
	v1 =	vld.idx.msk [tilespmem:v3+s6+$0x0], $0xffff  }
.LBB2_9:
0x72: {  	v3 =	vor.u32 s8, v2;
	p0 =	sne.s32 s8, $0xF;
	s8 =	sadd.s32 $0x1, s8  }
.Ltmp4:
0x73: {  	(pc) =	sbr.rel @p0 .LBB2_9-.Ltmp4, $2  }
0x74: {  	_ =	sdelay $0x2  }
0x75: {  	v0 =	vadd.s32 v0, v1;
	v1 =	vld.idx.msk [tilespmem:v3+s6+$0x0], $0xffff  }
0x76: {  	v2 =	vlaneseq.u32  }
0x77: {  	v2 =	vmul.u32 $0x10, v2;
	_ =	sdelay $0x1  }
0x78: {  	s6 =	simm.s32 $0x0;
	v3 =	vor.u32 $0xC00, v2  }
0x79: {  	v2 =	vor.u32 s6, v3;
	_ =	sdelay $0x3  }
0x7a: {  	s6 =	simm.s32 $0x8000  }
0x7b: {  	s8 =	simm.s32 $0x1;
	v0 =	vadd.s32 v0, v1;
	v2 =	vld.idx.msk [tilespmem:v2+s6+$0x0], $0xffff  }
.LBB2_11:
0x7c: {  	v1 =	vor.u32 s8, v3;
	p0 =	sne.s32 s8, $0xF;
	s8 =	sadd.s32 $0x1, s8  }
.Ltmp5:
0x7d: {  	(pc) =	sbr.rel @p0 .LBB2_11-.Ltmp5, $2  }
0x7e: {  	_ =	sdelay $0x2  }
0x7f: {  	v0 =	vadd.s32 v0, v2;
	v2 =	vld.idx.msk [tilespmem:v1+s6+$0x0], $0xffff  }
0x80: {  	v1 =	vlaneseq.u32  }
0x81: {  	v1 =	vmul.u32 $0x10, v1;
	_ =	sdelay $0x1  }
0x82: {  	s6 =	simm.s32 $0x0;
	v1 =	vor.u32 $0x100, v1  }
0x83: {  	v3 =	vor.u32 s6, v1;
	_ =	sdelay $0x2  }
0x84: {  	v0 =	vadd.s32 v0, v2  }
0x85: {  	s8 =	simm.s32 $0x8000;
	[tilespmem:$0xA000] =	vst v0  }
0x86: {  	s9 =	simm.s32 $0x1;
	v0 =	vimm.s32 $0x0;
	v2 =	vld.idx.msk [tilespmem:v3+s8+$0x0], $0xffff  }
.LBB2_13:
0x87: {  	v3 =	vor.u32 s9, v1;
	p0 =	sne.s32 s9, $0xF;
	s9 =	sadd.s32 $0x1, s9  }
.Ltmp6:
0x88: {  	(pc) =	sbr.rel @p0 .LBB2_13-.Ltmp6, $2  }
0x89: {  	_ =	sdelay $0x2  }
0x8a: {  	v0 =	vadd.s32 v0, v2;
	v2 =	vld.idx.msk [tilespmem:v3+s8+$0x0], $0xffff  }
0x8b: {  	v1 =	vlaneseq.u32  }
0x8c: {  	v1 =	vmul.u32 $0x10, v1;
	_ =	sdelay $0x1  }
0x8d: {  	v3 =	vor.u32 $0x500, v1  }
0x8e: {  	v1 =	vor.u32 s6, v3;
	_ =	sdelay $0x3  }
0x8f: {  	s6 =	simm.s32 $0x8000  }
0x90: {  	s8 =	simm.s32 $0x1;
	v0 =	vadd.s32 v0, v2;
	v1 =	vld.idx.msk [tilespmem:v1+s6+$0x0], $0xffff  }
.LBB2_15:
0x91: {  	v2 =	vor.u32 s8, v3;
	p0 =	sne.s32 s8, $0xF;
	s8 =	sadd.s32 $0x1, s8  }
.Ltmp7:
0x92: {  	(pc) =	sbr.rel @p0 .LBB2_15-.Ltmp7, $2  }
0x93: {  	_ =	sdelay $0x2  }
0x94: {  	v0 =	vadd.s32 v0, v1;
	v1 =	vld.idx.msk [tilespmem:v2+s6+$0x0], $0xffff  }
0x95: {  	v2 =	vlaneseq.u32  }
0x96: {  	v2 =	vmul.u32 $0x10, v2;
	_ =	sdelay $0x1  }
0x97: {  	s6 =	simm.s32 $0x0;
	v2 =	vor.u32 $0x900, v2  }
0x98: {  	v3 =	vor.u32 s6, v2;
	_ =	sdelay $0x3  }
0x99: {  	s6 =	simm.s32 $0x8000  }
0x9a: {  	s8 =	simm.s32 $0x1;
	v0 =	vadd.s32 v0, v1;
	v1 =	vld.idx.msk [tilespmem:v3+s6+$0x0], $0xffff  }
.LBB2_17:
0x9b: {  	v3 =	vor.u32 s8, v2;
	p0 =	sne.s32 s8, $0xF;
	s8 =	sadd.s32 $0x1, s8  }
.Ltmp8:
0x9c: {  	(pc) =	sbr.rel @p0 .LBB2_17-.Ltmp8, $2  }
0x9d: {  	_ =	sdelay $0x2  }
0x9e: {  	v0 =	vadd.s32 v0, v1;
	v1 =	vld.idx.msk [tilespmem:v3+s6+$0x0], $0xffff  }
0x9f: {  	v2 =	vlaneseq.u32  }
0xa0: {  	v2 =	vmul.u32 $0x10, v2;
	_ =	sdelay $0x1  }
0xa1: {  	s6 =	simm.s32 $0x0;
	v3 =	vor.u32 $0xD00, v2  }
0xa2: {  	v2 =	vor.u32 s6, v3;
	_ =	sdelay $0x3  }
0xa3: {  	s6 =	simm.s32 $0x8000  }
0xa4: {  	s8 =	simm.s32 $0x1;
	v0 =	vadd.s32 v0, v1;
	v2 =	vld.idx.msk [tilespmem:v2+s6+$0x0], $0xffff  }
.LBB2_19:
0xa5: {  	v1 =	vor.u32 s8, v3;
	p0 =	sne.s32 s8, $0xF;
	s8 =	sadd.s32 $0x1, s8  }
.Ltmp9:
0xa6: {  	(pc) =	sbr.rel @p0 .LBB2_19-.Ltmp9, $2  }
0xa7: {  	_ =	sdelay $0x2  }
0xa8: {  	v0 =	vadd.s32 v0, v2;
	v2 =	vld.idx.msk [tilespmem:v1+s6+$0x0], $0xffff  }
0xa9: {  	v1 =	vlaneseq.u32  }
0xaa: {  	v1 =	vmul.u32 $0x10, v1;
	_ =	sdelay $0x1  }
0xab: {  	s6 =	simm.s32 $0x0;
	v1 =	vor.u32 $0x200, v1  }
0xac: {  	v3 =	vor.u32 s6, v1;
	_ =	sdelay $0x2  }
0xad: {  	v0 =	vadd.s32 v0, v2  }
0xae: {  	s8 =	simm.s32 $0x8000;
	[tilespmem:$0xA010] =	vst v0  }
0xaf: {  	s9 =	simm.s32 $0x1;
	v0 =	vimm.s32 $0x0;
	v2 =	vld.idx.msk [tilespmem:v3+s8+$0x0], $0xffff  }
.LBB2_21:
0xb0: {  	v3 =	vor.u32 s9, v1;
	p0 =	sne.s32 s9, $0xF;
	s9 =	sadd.s32 $0x1, s9  }
.Ltmp10:
0xb1: {  	(pc) =	sbr.rel @p0 .LBB2_21-.Ltmp10, $2  }
0xb2: {  	_ =	sdelay $0x2  }
0xb3: {  	v0 =	vadd.s32 v0, v2;
	v2 =	vld.idx.msk [tilespmem:v3+s8+$0x0], $0xffff  }
0xb4: {  	v1 =	vlaneseq.u32  }
0xb5: {  	v1 =	vmul.u32 $0x10, v1;
	_ =	sdelay $0x1  }
0xb6: {  	v3 =	vor.u32 $0x600, v1  }
0xb7: {  	v1 =	vor.u32 s6, v3;
	_ =	sdelay $0x3  }
0xb8: {  	s6 =	simm.s32 $0x8000  }
0xb9: {  	s8 =	simm.s32 $0x1;
	v0 =	vadd.s32 v0, v2;
	v1 =	vld.idx.msk [tilespmem:v1+s6+$0x0], $0xffff  }
.LBB2_23:
0xba: {  	v2 =	vor.u32 s8, v3;
	p0 =	sne.s32 s8, $0xF;
	s8 =	sadd.s32 $0x1, s8  }
.Ltmp11:
0xbb: {  	(pc) =	sbr.rel @p0 .LBB2_23-.Ltmp11, $2  }
0xbc: {  	_ =	sdelay $0x2  }
0xbd: {  	v0 =	vadd.s32 v0, v1;
	v1 =	vld.idx.msk [tilespmem:v2+s6+$0x0], $0xffff  }
0xbe: {  	v2 =	vlaneseq.u32  }
0xbf: {  	v2 =	vmul.u32 $0x10, v2;
	_ =	sdelay $0x1  }
0xc0: {  	s6 =	simm.s32 $0x0;
	v2 =	vor.u32 $0xA00, v2  }
0xc1: {  	v3 =	vor.u32 s6, v2;
	_ =	sdelay $0x3  }
0xc2: {  	s6 =	simm.s32 $0x8000  }
0xc3: {  	s8 =	simm.s32 $0x1;
	v0 =	vadd.s32 v0, v1;
	v1 =	vld.idx.msk [tilespmem:v3+s6+$0x0], $0xffff  }
.LBB2_25:
0xc4: {  	v3 =	vor.u32 s8, v2;
	p0 =	sne.s32 s8, $0xF;
	s8 =	sadd.s32 $0x1, s8  }
.Ltmp12:
0xc5: {  	(pc) =	sbr.rel @p0 .LBB2_25-.Ltmp12, $2  }
0xc6: {  	_ =	sdelay $0x2  }
0xc7: {  	v0 =	vadd.s32 v0, v1;
	v1 =	vld.idx.msk [tilespmem:v3+s6+$0x0], $0xffff  }
0xc8: {  	v2 =	vlaneseq.u32  }
0xc9: {  	v2 =	vmul.u32 $0x10, v2;
	_ =	sdelay $0x1  }
0xca: {  	s6 =	simm.s32 $0x0;
	v3 =	vor.u32 $0xE00, v2  }
0xcb: {  	v2 =	vor.u32 s6, v3;
	_ =	sdelay $0x3  }
0xcc: {  	s6 =	simm.s32 $0x8000  }
0xcd: {  	s8 =	simm.s32 $0x1;
	v0 =	vadd.s32 v0, v1;
	v2 =	vld.idx.msk [tilespmem:v2+s6+$0x0], $0xffff  }
.LBB2_27:
0xce: {  	v1 =	vor.u32 s8, v3;
	p0 =	sne.s32 s8, $0xF;
	s8 =	sadd.s32 $0x1, s8  }
.Ltmp13:
0xcf: {  	(pc) =	sbr.rel @p0 .LBB2_27-.Ltmp13, $2  }
0xd0: {  	_ =	sdelay $0x2  }
0xd1: {  	v0 =	vadd.s32 v0, v2;
	v2 =	vld.idx.msk [tilespmem:v1+s6+$0x0], $0xffff  }
0xd2: {  	v1 =	vlaneseq.u32  }
0xd3: {  	v1 =	vmul.u32 $0x10, v1;
	_ =	sdelay $0x1  }
0xd4: {  	s6 =	simm.s32 $0x0;
	v1 =	vor.u32 $0x300, v1  }
0xd5: {  	v3 =	vor.u32 s6, v1;
	_ =	sdelay $0x2  }
0xd6: {  	v0 =	vadd.s32 v0, v2  }
0xd7: {  	s8 =	simm.s32 $0x8000;
	[tilespmem:$0xA020] =	vst v0  }
0xd8: {  	s9 =	simm.s32 $0x1;
	v0 =	vimm.s32 $0x0;
	v2 =	vld.idx.msk [tilespmem:v3+s8+$0x0], $0xffff  }
.LBB2_29:
0xd9: {  	v3 =	vor.u32 s9, v1;
	p0 =	sne.s32 s9, $0xF;
	s9 =	sadd.s32 $0x1, s9  }
.Ltmp14:
0xda: {  	(pc) =	sbr.rel @p0 .LBB2_29-.Ltmp14, $2  }
0xdb: {  	_ =	sdelay $0x2  }
0xdc: {  	v0 =	vadd.s32 v0, v2;
	v2 =	vld.idx.msk [tilespmem:v3+s8+$0x0], $0xffff  }
0xdd: {  	v1 =	vlaneseq.u32  }
0xde: {  	v1 =	vmul.u32 $0x10, v1;
	_ =	sdelay $0x1  }
0xdf: {  	v3 =	vor.u32 $0x700, v1  }
0xe0: {  	v1 =	vor.u32 s6, v3;
	_ =	sdelay $0x3  }
0xe1: {  	s6 =	simm.s32 $0x8000  }
0xe2: {  	s8 =	simm.s32 $0x1;
	v0 =	vadd.s32 v0, v2;
	v1 =	vld.idx.msk [tilespmem:v1+s6+$0x0], $0xffff  }
.LBB2_31:
0xe3: {  	v2 =	vor.u32 s8, v3;
	p0 =	sne.s32 s8, $0xF;
	s8 =	sadd.s32 $0x1, s8  }
.Ltmp15:
0xe4: {  	(pc) =	sbr.rel @p0 .LBB2_31-.Ltmp15, $2  }
0xe5: {  	_ =	sdelay $0x2  }
0xe6: {  	v0 =	vadd.s32 v0, v1;
	v1 =	vld.idx.msk [tilespmem:v2+s6+$0x0], $0xffff  }
0xe7: {  	v2 =	vlaneseq.u32  }
0xe8: {  	v2 =	vmul.u32 $0x10, v2;
	_ =	sdelay $0x1  }
0xe9: {  	s6 =	simm.s32 $0x0;
	v2 =	vor.u32 $0xB00, v2  }
0xea: {  	v3 =	vor.u32 s6, v2;
	_ =	sdelay $0x3  }
0xeb: {  	s6 =	simm.s32 $0x8000  }
0xec: {  	s8 =	simm.s32 $0x1;
	v0 =	vadd.s32 v0, v1;
	v1 =	vld.idx.msk [tilespmem:v3+s6+$0x0], $0xffff  }
.LBB2_33:
0xed: {  	v3 =	vor.u32 s8, v2;
	p0 =	sne.s32 s8, $0xF;
	s8 =	sadd.s32 $0x1, s8  }
.Ltmp16:
0xee: {  	(pc) =	sbr.rel @p0 .LBB2_33-.Ltmp16, $2  }
0xef: {  	_ =	sdelay $0x2  }
0xf0: {  	v0 =	vadd.s32 v0, v1;
	v1 =	vld.idx.msk [tilespmem:v3+s6+$0x0], $0xffff  }
0xf1: {  	v2 =	vlaneseq.u32  }
0xf2: {  	v2 =	vmul.u32 $0x10, v2;
	_ =	sdelay $0x1  }
0xf3: {  	s6 =	simm.s32 $0x0;
	v2 =	vor.u32 $0xF00, v2  }
0xf4: {  	v3 =	vor.u32 s6, v2;
	_ =	sdelay $0x3  }
0xf5: {  	s6 =	simm.s32 $0x8000  }
0xf6: {  	s8 =	simm.s32 $0x1;
	v0 =	vadd.s32 v0, v1;
	v1 =	vld.idx.msk [tilespmem:v3+s6+$0x0], $0xffff  }
.LBB2_35:
0xf7: {  	v3 =	vor.u32 s8, v2;
	p0 =	sne.s32 s8, $0xF;
	s8 =	sadd.s32 $0x1, s8  }
.Ltmp17:
0xf8: {  	(pc) =	sbr.rel @p0 .LBB2_35-.Ltmp17, $2  }
0xf9: {  	_ =	sdelay $0x2  }
0xfa: {  	v0 =	vadd.s32 v0, v1;
	v1 =	vld.idx.msk [tilespmem:v3+s6+$0x0], $0xffff  }
0xfb: {  	_ =	sdelay $0x3  }
0xfc: {  	s6 =	sshll.u32 s1, $0x7;
	v0 =	vadd.s32 v0, v1  }
0xfd: {  	s9 =	simm.s32 $0xA000;
	s30 =	simm.s32 $0x2;
	s8 =	sadd.s32 s6, s7;
	[tilespmem:$0xA030] =	vst v0  }
0xfe: {  	[spmem:s8] =	stream.linear.scatter [tilespmem:s9], [sflag:$0x2], $0x80, $0x38;
	[tilespmem:$0xEDC0] =	vst v63  }
0xff: {  	_ =	swait.ge [sflag:s30], $0x80  }
0x100: {  	[sflag:s30] =	ssyncset.done $0x0  }
0x101: {  	[sflag:s30] =	ssyncadd.s32 $0xFFFFFF80  }
0x102: {  	s31 =	simm.s32 $0xA100;
	[bflag:$0x0] =	sbarrier.arrive $0xFFFF  }
0x103: {  	[tilespmem:s31], [sflag:$0x2] =	stream.linear.gather [spmem:s7], $0x800, $0x38;
	[tilespmem:$0xEDC0] =	vst v63  }
0x104: {  	_ =	swait.ge [sflag:s30], $0x800  }
0x105: {  	[sflag:s30] =	ssyncset.done $0x0  }
0x106: {  	[sflag:s30] =	ssyncadd.s32 $0xFFFFF800  }
0x107: {  	v1 =	vld [tilespmem:s31+$0x0];
	_ =	sdelay $0x2  }
0x108: {  	p0 =	sgt.u32 s1, $0x0;
	s8 =	simm.s32 $0x1  }
0x109: {  	s8 =	simm.s32 @!p0 $0x0  }
0x10a: {  	v0 =	vimm.s32 $0x0;
	s7 =	simm.s32 $0x1;
	v1 =	vmul.u32 s8, v1;
	s8 =	simm.s32 $0xA180  }
.LBB2_37:
0x10b: {  	v2 =	vld [tilespmem:s8+$0x0];
	p0 =	sne.s32 s7, $0xF;
	s9 =	smov.u32 s7;
	s7 =	sadd.s32 $0x1, s7  }
.Ltmp18:
0x10c: {  	v0 =	vadd.s32 v0, v1;
	(pc) =	sbr.rel @p0 .LBB2_37-.Ltmp18, $4  }
0x10d: {  	_ = 	snop  }
0x10e: {  	p1 =	slt.u32 s9, s1;
	s9 =	simm.s32 $0x1  }
0x10f: {  	s9 =	simm.s32 @!p1 $0x0  }
0x110: {  	s8 =	sadd.s32 $0x80, s8;
	v1 =	vmul.u32 s9, v2  }
0x111: {  	_ = 	snop  }
0x112: {  	v0 =	vadd.s32 v0, v1  }
0x113: {  	s7 =	simm.s32 $0xA110;
	[tilespmem:$0xA080] =	vst v0  }
0x114: {  	v1 =	vld [tilespmem:s7+$0x0];
	_ =	sdelay $0x2  }
0x115: {  	s8 =	simm.s32 $0x1;
	p0 =	sgt.u32 s1, $0x0  }
0x116: {  	s8 =	simm.s32 @!p0 $0x0  }
0x117: {  	v0 =	vimm.s32 $0x0;
	s7 =	simm.s32 $0x1;
	v1 =	vmul.u32 s8, v1;
	s8 =	simm.s32 $0xA190  }
.LBB2_39:
0x118: {  	v2 =	vld [tilespmem:s8+$0x0];
	p0 =	sne.s32 s7, $0xF;
	s9 =	smov.u32 s7;
	s7 =	sadd.s32 $0x1, s7  }
.Ltmp19:
0x119: {  	v0 =	vadd.s32 v0, v1;
	(pc) =	sbr.rel @p0 .LBB2_39-.Ltmp19, $4  }
0x11a: {  	_ = 	snop  }
0x11b: {  	p1 =	slt.u32 s9, s1;
	s9 =	simm.s32 $0x1  }
0x11c: {  	s9 =	simm.s32 @!p1 $0x0  }
0x11d: {  	s8 =	sadd.s32 $0x80, s8;
	v1 =	vmul.u32 s9, v2  }
0x11e: {  	_ = 	snop  }
0x11f: {  	v0 =	vadd.s32 v0, v1  }
0x120: {  	s7 =	simm.s32 $0xA120;
	[tilespmem:$0xA090] =	vst v0  }
0x121: {  	v1 =	vld [tilespmem:s7+$0x0];
	_ =	sdelay $0x2  }
0x122: {  	s8 =	simm.s32 $0x1;
	p0 =	sgt.u32 s1, $0x0  }
0x123: {  	s8 =	simm.s32 @!p0 $0x0  }
0x124: {  	v0 =	vimm.s32 $0x0;
	s7 =	simm.s32 $0x1;
	v1 =	vmul.u32 s8, v1;
	s8 =	simm.s32 $0xA1A0  }
.LBB2_41:
0x125: {  	v2 =	vld [tilespmem:s8+$0x0];
	p0 =	sne.s32 s7, $0xF;
	s9 =	smov.u32 s7;
	s7 =	sadd.s32 $0x1, s7  }
.Ltmp20:
0x126: {  	v0 =	vadd.s32 v0, v1;
	(pc) =	sbr.rel @p0 .LBB2_41-.Ltmp20, $4  }
0x127: {  	_ = 	snop  }
0x128: {  	p1 =	slt.u32 s9, s1;
	s9 =	simm.s32 $0x1  }
0x129: {  	s9 =	simm.s32 @!p1 $0x0  }
0x12a: {  	s8 =	sadd.s32 $0x80, s8;
	v1 =	vmul.u32 s9, v2  }
0x12b: {  	_ = 	snop  }
0x12c: {  	v0 =	vadd.s32 v0, v1  }
0x12d: {  	s7 =	simm.s32 $0xA130;
	[tilespmem:$0xA0A0] =	vst v0  }
0x12e: {  	v1 =	vld [tilespmem:s7+$0x0];
	_ =	sdelay $0x2  }
0x12f: {  	s8 =	simm.s32 $0x1;
	p0 =	sgt.u32 s1, $0x0  }
0x130: {  	s8 =	simm.s32 @!p0 $0x0  }
0x131: {  	v0 =	vimm.s32 $0x0;
	s7 =	simm.s32 $0x1;
	v1 =	vmul.u32 s8, v1;
	s8 =	simm.s32 $0xA1B0  }
.LBB2_43:
0x132: {  	v2 =	vld [tilespmem:s8+$0x0];
	p0 =	sne.s32 s7, $0xF;
	s9 =	smov.u32 s7;
	s7 =	sadd.s32 $0x1, s7  }
.Ltmp21:
0x133: {  	v0 =	vadd.s32 v0, v1;
	(pc) =	sbr.rel @p0 .LBB2_43-.Ltmp21, $4  }
0x134: {  	_ = 	snop  }
0x135: {  	p1 =	slt.u32 s9, s1;
	s9 =	simm.s32 $0x1  }
0x136: {  	s9 =	simm.s32 @!p1 $0x0  }
0x137: {  	s8 =	sadd.s32 $0x80, s8;
	v1 =	vmul.u32 s9, v2  }
0x138: {  	_ = 	snop  }
0x139: {  	v0 =	vadd.s32 v0, v1  }
0x13a: {  	s8 =	simm.s32 $0x8000;
	[tilespmem:$0xA0B0] =	vst v0  }
0x13b: {  	s7 =	simm.s32 $0x0;
	v0 =	vld [tilespmem:s8+$0x0]  }
0x13c: {  	v1 =	vmov s7;
	_ =	sdelay $0x3  }
0x13d: {  	s8 =	simm.s32 $0xA080;
	(xrf0) =	vadd.scan.msk.s32 $0xffff, v0  }
0x13e: {  	v1 =	vld.idx.msk [tilespmem:v1+s8+$0x0], $0xffff;
	_ =	sdelay $0x4  }
0x13f: {  	v0 =	vsub.s32 v1, v0;
	v2, _, _ =	vpop (xrf0)  }
0x140: {  	s9 =	simm.s32 $0x9020;
	v0 =	vadd.s32 v2, v0  }
0x141: {  	s10 =	sand.u32 $0x3F0, s7;
	[tilespmem:s9+$0xFFFFFFE0] =	vst v0  }
0x142: {  	v0 =	vld [tilespmem:s10+$0x8400];
	_ =	sdelay $0x4  }
0x143: {  	(xrf0) =	vadd.scan.msk.s32 $0xffff, v0;
	_ =	sdelay $0x4  }
0x144: {  	v2 =	vbroadcast v2, $0xF  }
0x145: {  	v3, _, _ =	vpop (xrf0)  }
0x146: {  	v1 =	vadd.s32 v1, v2;
	v0 =	vsub.s32 v3, v0  }
0x147: {  	v0 =	vadd.s32 v1, v0  }
0x148: {  	[tilespmem:s9+$0xFFFFFFF0] =	vst v0  }
0x149: {  	v0 =	vld [tilespmem:s10+$0x8800];
	_ =	sdelay $0x4  }
0x14a: {  	(xrf0) =	vadd.scan.msk.s32 $0xffff, v0;
	_ =	sdelay $0x4  }
0x14b: {  	v2 =	vbroadcast v3, $0xF  }
0x14c: {  	v3, _, _ =	vpop (xrf0)  }
0x14d: {  	v1 =	vadd.s32 v1, v2;
	v0 =	vsub.s32 v3, v0  }
0x14e: {  	v0 =	vadd.s32 v1, v0  }
0x14f: {  	[tilespmem:s9+$0x0] =	vst v0  }
0x150: {  	v0 =	vld [tilespmem:s10+$0x8C00];
	_ =	sdelay $0x4  }
0x151: {  	(xrf0) =	vadd.scan.msk.s32 $0xffff, v0;
	_ =	sdelay $0x3  }
0x152: {  	v2 =	vbroadcast v3, $0xF  }
0x153: {  	v0 =	vsub.s32 v1, v0  }
0x154: {  	s11 =	simm.s32 $0x1;
	v0 =	vadd.s32 v2, v0;
	v1, _, _ =	vpop (xrf0)  }
0x155: {  	v0 =	vadd.s32 v1, v0;
	v1 =	vmov s11;
	_ =	sdelay $0x2  }
0x156: {  	s10 =	simm.s32 $0x8010;
	[tilespmem:s9+$0x10] =	vst v0  }
0x157: {  	s11 =	simm.s32 $0x2;
	v0 =	vld [tilespmem:s10+$0x0]  }
.LBB2_45:
0x158: {  	p0 =	sne.s32 s11, $0x3F;
	v1 =	vld.idx.msk [tilespmem:v1+s8+$0x0], $0xffff;
	_ =	sdelay $0x3  }
0x159: {  	(xrf0) =	vadd.scan.msk.s32 $0xffff, v0;
	_ =	sdelay $0x5  }
0x15a: {  	v0 =	vsub.s32 v1, v0;
	v2, _, _ =	vpop (xrf0)  }
0x15b: {  	s7 =	sadd.s32 $0x10, s7;
	s9 =	sadd.s32 $0x40, s9;
	v0 =	vadd.s32 v2, v0  }
0x15c: {  	s12 =	sand.u32 $0x3F0, s7;
	[tilespmem:s9+$0xFFFFFFE0] =	vst v0  }
0x15d: {  	v0 =	vld [tilespmem:s12+$0x8400];
	_ =	sdelay $0x4  }
0x15e: {  	(xrf0) =	vadd.scan.msk.s32 $0xffff, v0;
	_ =	sdelay $0x4  }
0x15f: {  	v2 =	vbroadcast v2, $0xF  }
0x160: {  	v3, _, _ =	vpop (xrf0)  }
0x161: {  	v1 =	vadd.s32 v1, v2;
	v0 =	vsub.s32 v3, v0  }
0x162: {  	v0 =	vadd.s32 v1, v0  }
0x163: {  	[tilespmem:s9+$0xFFFFFFF0] =	vst v0  }
0x164: {  	v0 =	vld [tilespmem:s12+$0x8800];
	_ =	sdelay $0x4  }
0x165: {  	(xrf0) =	vadd.scan.msk.s32 $0xffff, v0;
	_ =	sdelay $0x4  }
0x166: {  	v2 =	vbroadcast v3, $0xF  }
0x167: {  	v3, _, _ =	vpop (xrf0)  }
0x168: {  	v2 =	vadd.s32 v1, v2;
	v0 =	vsub.s32 v3, v0  }
0x169: {  	v0 =	vadd.s32 v2, v0  }
0x16a: {  	[tilespmem:s9+$0x0] =	vst v0  }
0x16b: {  	v0 =	vld [tilespmem:s12+$0x8C00];
	_ =	sdelay $0x4  }
0x16c: {  	(xrf0) =	vadd.scan.msk.s32 $0xffff, v0;
	_ =	sdelay $0x3  }
0x16d: {  	v3 =	vbroadcast v3, $0xF  }
.Ltmp22:
0x16e: {  	v1 =	vmov s11;
	v0 =	vsub.s32 v2, v0;
	(pc) =	sbr.rel @p0 .LBB2_45-.Ltmp22, $4  }
0x16f: {  	v0 =	vadd.s32 v3, v0;
	v2, _, _ =	vpop (xrf0)  }
0x170: {  	v0 =	vadd.s32 v2, v0  }
0x171: {  	s10 =	sadd.s32 $0x10, s10;
	[tilespmem:s9+$0x10] =	vst v0  }
0x172: {  	s11 =	sadd.s32 $0x1, s11;
	v0 =	vld [tilespmem:s10+$0x0]  }
0x173: {  	_ =	sdelay $0x3  }
0x174: {  	(xrf0) =	vadd.scan.msk.s32 $0xffff, v0  }
0x175: {  	v1 =	vld.idx.msk [tilespmem:v1+s8+$0x0], $0xffff;
	_ =	sdelay $0x4  }
0x176: {  	v0 =	vsub.s32 v1, v0;
	v2, _, _ =	vpop (xrf0)  }
0x177: {  	s7 =	sadd.s32 $0x10, s7;
	s25 =	sadd.s32 $0x40, s9;
	v0 =	vadd.s32 v2, v0  }
0x178: {  	s7 =	sand.u32 $0x3F0, s7;
	[tilespmem:s25+$0xFFFFFFE0] =	vst v0  }
0x179: {  	v0 =	vld [tilespmem:s7+$0x8400];
	_ =	sdelay $0x4  }
0x17a: {  	(xrf0) =	vadd.scan.msk.s32 $0xffff, v0;
	_ =	sdelay $0x4  }
0x17b: {  	v2 =	vbroadcast v2, $0xF  }
0x17c: {  	v3, _, _ =	vpop (xrf0)  }
0x17d: {  	v1 =	vadd.s32 v1, v2;
	v0 =	vsub.s32 v3, v0  }
0x17e: {  	v0 =	vadd.s32 v1, v0  }
0x17f: {  	[tilespmem:s25+$0xFFFFFFF0] =	vst v0  }
0x180: {  	v0 =	vld [tilespmem:s7+$0x8800];
	_ =	sdelay $0x4  }
0x181: {  	(xrf0) =	vadd.scan.msk.s32 $0xffff, v0;
	_ =	sdelay $0x4  }
0x182: {  	v2 =	vbroadcast v3, $0xF  }
0x183: {  	v3, _, _ =	vpop (xrf0)  }
0x184: {  	v1 =	vadd.s32 v1, v2;
	v0 =	vsub.s32 v3, v0  }
0x185: {  	v0 =	vadd.s32 v1, v0  }
0x186: {  	[tilespmem:s25+$0x0] =	vst v0  }
0x187: {  	v0 =	vld [tilespmem:s7+$0x8C00];
	_ =	sdelay $0x4  }
0x188: {  	(xrf0) =	vadd.scan.msk.s32 $0xffff, v0;
	_ =	sdelay $0x3  }
0x189: {  	v2 =	vbroadcast v3, $0xF  }
0x18a: {  	v0 =	vsub.s32 v1, v0  }
0x18b: {  	v0 =	vadd.s32 v2, v0;
	v1, _, _ =	vpop (xrf0)  }
0x18c: {  	v0 =	vadd.s32 v1, v0  }
0x18d: {  	s26 =	simm.s32 $0x1;
	[tilespmem:s25+$0x10] =	vst v0  }
0x18e: {  	v0 =	vld [tilespmem:$0xA900];
	_ =	swait.ge [sflag:s26], $0x2000  }
0x18f: {  	[sflag:s26] =	ssyncset.done $0x0  }
0x190: {  	s28 =	simm.s32 $0x10;
	[sflag:s26] =	ssyncadd.s32 $0xFFFFE000  }
0x191: {  	v1 =	vld [tilespmem:s28+$0x0]  }
0x192: {  	v2 =	vld [tilespmem:s28+$0xFFFFFFF0];
	_ =	sdelay $0x2  }
0x193: {  	s29 =	simm.s32 $0x4010  }
0x194: {  	s30 =	simm.s32 $0x0;
	s31 =	simm.s32 $0x30;
	v4 =	vld [tilespmem:s29+$0xFFFFFFF0];
	v1 =	vshll.u32 v1, $0x6  }
0x195: {  	v5 =	vld [tilespmem:s31+$0x0];
	v2 =	vshll.u32 v2, $0x6;
	v3 =	vadd.s32 s30, v1  }
0x196: {  	v6 =	vld [tilespmem:s31+$0xFFFFFFF0];
	v2 =	vadd.s32 s30, v2  }
0x197: {  	s9 =	simm.s32 $0x2010;
	v8 =	vld [tilespmem:s29+$0x0]  }
0x198: {  	v10 =	vld [tilespmem:s9+$0x0]  }
0x199: {  	s7 =	simm.s32 $0x9000;
	v12 =	vld [tilespmem:s9+$0xFFFFFFF0]  }
0x19a: {  	v3 =	vld.idx.msk [tilespmem:v3+s7+$0x0], $0xffff  }
0x19b: {  	s10 =	simm.s32 $0x4030;
	s11 =	simm.s32 $0x0;
	v5 =	vshll.u32 v5, $0x6;
	v6 =	vshll.u32 v6, $0x6;
	v9 =	vld.idx.msk [tilespmem:v2+s7+$0x0], $0xffff  }
0x19c: {  	v1 =	vld [tilespmem:s10+$0xFFFFFFF0];
	v5 =	vadd.s32 s11, v5;
	v11 =	vadd.s32 s11, v6;
	s11 =	simm.s32 $0x50  }
0x19d: {  	v7 =	vld [tilespmem:s11+$0x0]  }
0x19e: {  	s8 =	simm.s32 $0x4050;
	v6 =	vld [tilespmem:s11+$0xFFFFFFF0]  }
0x19f: {  	v2 =	vld [tilespmem:s8+$0xFFFFFFF0];
	v8 =	vadd.s32 v3, v8  }
0x1a0: {  	v3 =	vld [tilespmem:s10+$0x0];
	v9 =	vadd.s32 v9, v4;
	vm0 =	vlt.s32 v8, v0  }
0x1a1: {  	s10 =	simm.s32 $0x6010;
	v4 =	vld.idx.msk [tilespmem:v5+s7+$0x0], $0xffff;
	vm1 =	vlt.s32 v9, v0;
	v9 =	vnsel vm0, $0x0, v10  }
0x1a2: {  	s13 =	simm.s32 $0x40;
	s12 =	simm.s32 $0x0;
	s14 =	simm.s32 $0x4070;
	v5 =	vld.idx.msk [tilespmem:v11+s7+$0x0], $0xffff;
	v8 =	vnsel vm1, $0x0, v12;
	[tilespmem:s10+$0x0] =	vst v9  }
.LBB2_47:
0x1a3: {  	s13 =	sadd.s32 $0x20, s13;
	v9 =	vld [tilespmem:s14+$0xFFFFFFF0];
	v7 =	vshll.u32 v7, $0x6;
	[tilespmem:s10+$0xFFFFFFF0] =	vst v8;
	s9 =	sadd.s32 $0x20, s9;
	s10 =	sadd.s32 $0x20, s10  }
0x1a4: {  	s15 =	sshrl.u32 s13, $0x7;
	p0 =	slt.u32 s13, $0x1FE0;
	v6 =	vshll.u32 v6, $0x6;
	v8 =	vadd.s32 s12, v7;
	v10 =	vld [tilespmem:s9+$0x0]  }
0x1a5: {  	s11 =	sadd.s32 $0x20, s11;
	v11 =	vadd.s32 s12, v6;
	v12 =	vld [tilespmem:s9+$0xFFFFFFF0];
	s12 =	smov.u32 s15  }
.Ltmp23:
0x1a6: {  	v7 =	vld [tilespmem:s11+$0x0];
	(pc) =	sbr.rel @p0 .LBB2_47-.Ltmp23, $4  }
0x1a7: {  	v4 =	vadd.s32 v4, v3;
	v6 =	vld [tilespmem:s11+$0xFFFFFFF0]  }
0x1a8: {  	v5 =	vadd.s32 v5, v1;
	vm0 =	vlt.s32 v4, v0;
	v1 =	vmovc v2;
	v3 =	vld [tilespmem:s8+$0x0];
	v2 =	vmov v9;
	s8 =	smov.u32 s14  }
0x1a9: {  	vm1 =	vlt.s32 v5, v0;
	v4 =	vld.idx.msk [tilespmem:v8+s7+$0x0], $0xffff;
	v9 =	vnsel vm0, $0x0, v10  }
0x1aa: {  	s14 =	sadd.s32 $0x20, s14;
	v5 =	vld.idx.msk [tilespmem:v11+s7+$0x0], $0xffff;
	v8 =	vnsel vm1, $0x0, v12;
	[tilespmem:s10+$0x0] =	vst v9  }
0x1ab: {  	v7 =	vshll.u32 v7, $0x6  }
0x1ac: {  	v6 =	vshll.u32 v6, $0x6;
	v7 =	vadd.s32 s12, v7  }
0x1ad: {  	v6 =	vadd.s32 s12, v6  }
0x1ae: {  	s9 =	sadd.s32 $0x20, s9;
	v11 =	vld [tilespmem:s8+$0x0]  }
0x1af: {  	v9 =	vld [tilespmem:s9+$0x0]  }
0x1b0: {  	v10 =	vld [tilespmem:s9+$0xFFFFFFF0]  }
0x1b1: {  	v7 =	vld.idx.msk [tilespmem:v7+s7+$0x0], $0xffff  }
0x1b2: {  	s28 =	sadd.s32 $0x20, s9;
	v6 =	vld.idx.msk [tilespmem:v6+s7+$0x0], $0xffff  }
0x1b3: {  	v12 =	vld [tilespmem:s28+$0x0]  }
0x1b4: {  	v3 =	vadd.s32 v4, v3;
	v4 =	vld [tilespmem:s28+$0xFFFFFFF0]  }
0x1b5: {  	v1 =	vadd.s32 v5, v1;
	vm0 =	vlt.s32 v3, v0  }
0x1b6: {  	[tilespmem:s10+$0xFFFFFFF0] =	vst v8;
	s29 =	sadd.s32 $0x20, s10;
	vm12 =	vlt.s32 v1, v0;
	v3 =	vnsel vm0, $0x0, v9;
	v1 =	vadd.s32 v7, v11  }
0x1b7: {  	v5 =	vnsel vm12, $0x0, v10;
	[tilespmem:s29+$0x0] =	vst v3;
	v2 =	vadd.s32 v6, v2;
	vm13 =	vlt.s32 v1, v0  }
0x1b8: {  	[tilespmem:s29+$0xFFFFFFF0] =	vst v5;
	s7 =	sadd.s32 $0x20, s29;
	vm1 =	vlt.s32 v2, v0;
	v0 =	vnsel vm13, $0x0, v12  }
0x1b9: {  	v1 =	vnsel vm1, $0x0, v4;
	[tilespmem:s7+$0x0] =	vst v0  }
0x1ba: {  	s5 =	sadd.s32 s5, s4;
	s30 =	simm.s32 $0x6000;
	[tilespmem:s7+$0xFFFFFFF0] =	vst v1;
	s7 =	simm.s32 $0x0  }
0x1bb: {  	[hbm4b:s5+s7] =	stream.linear.scatter [tilespmem:s30], [sflag:$0x2], $0x2000, $0x38;
	[tilespmem:$0xEDC0] =	vst v63  }
0x1bc: {  	s5 =	simm.s32 $0x2  }
0x1bd: {  	_ =	swait.ge [sflag:s5], $0x2000  }
0x1be: {  	s31 =	sshll.u32 s1, $0xD;
	[sflag:s5] =	ssyncset.done $0x0  }
0x1bf: {  	s9 =	sadd.s32 s31, s3;
	[sflag:s5] =	ssyncadd.s32 $0xFFFFE000  }
0x1c0: {  	[spmem:s9] =	stream.linear.scatter [tilespmem:s30], [sflag:$0x2], $0x2000, $0x38;
	[tilespmem:$0xEDC0] =	vst v63  }
0x1c1: {  	_ =	swait.ge [sflag:s5], $0x2000  }
0x1c2: {  	[sflag:s5] =	ssyncset.done $0x0  }
0x1c3: {  	[sflag:s5] =	ssyncadd.s32 $0xFFFFE000  }
0x1c4: {  	s8 =	simm.s32 $0xA980;
	s3 =	sadd.s32 s4, s3;
	[bflag:$0x0] =	sbarrier.arrive $0xFFFF  }
0x1c5: {  	[tilespmem:s8], [sflag:$0x2] =	stream.linear.gather [spmem:s3], $0x80, $0x38;
	[tilespmem:$0xEDC0] =	vst v63  }
0x1c6: {  	s10 =	simm.s32 $0xAD80;
	s9 =	sadd.s32 $0x80, s3  }
0x1c7: {  	[tilespmem:s10], [sflag:$0x2] =	stream.linear.gather [spmem:s9], $0x80, $0x38;
	[tilespmem:$0xEDC0] =	vst v63  }
0x1c8: {  	s11 =	sadd.s32 $0x100, s3;
	s12 =	simm.s32 $0xB180  }
0x1c9: {  	[tilespmem:s12], [sflag:$0x2] =	stream.linear.gather [spmem:s11], $0x80, $0x38;
	[tilespmem:$0xEDC0] =	vst v63  }
0x1ca: {  	s14 =	simm.s32 $0xB580;
	s13 =	sadd.s32 $0x180, s3  }
0x1cb: {  	[tilespmem:s14], [sflag:$0x2] =	stream.linear.gather [spmem:s13], $0x80, $0x38;
	[tilespmem:$0xEDC0] =	vst v63  }
0x1cc: {  	s16 =	simm.s32 $0xB980;
	s15 =	sadd.s32 $0x200, s3  }
0x1cd: {  	[tilespmem:s16], [sflag:$0x2] =	stream.linear.gather [spmem:s15], $0x80, $0x38;
	[tilespmem:$0xEDC0] =	vst v63  }
0x1ce: {  	s18 =	simm.s32 $0xBD80;
	s17 =	sadd.s32 $0x280, s3  }
0x1cf: {  	[tilespmem:s18], [sflag:$0x2] =	stream.linear.gather [spmem:s17], $0x80, $0x38;
	[tilespmem:$0xEDC0] =	vst v63  }
0x1d0: {  	s20 =	simm.s32 $0xC180;
	s19 =	sadd.s32 $0x300, s3  }
0x1d1: {  	[tilespmem:s20], [sflag:$0x2] =	stream.linear.gather [spmem:s19], $0x80, $0x38;
	[tilespmem:$0xEDC0] =	vst v63  }
0x1d2: {  	s22 =	simm.s32 $0xC580;
	s21 =	sadd.s32 $0x380, s3  }
0x1d3: {  	[tilespmem:s22], [sflag:$0x2] =	stream.linear.gather [spmem:s21], $0x80, $0x38;
	[tilespmem:$0xEDC0] =	vst v63  }
0x1d4: {  	_ =	swait.ge [sflag:s5], $0x400  }
0x1d5: {  	[sflag:s5] =	ssyncset.done $0x0  }
0x1d6: {  	s24 =	simm.s32 $0xAA00;
	s23 =	sadd.s32 $0x4000, s3;
	[sflag:s5] =	ssyncadd.s32 $0xFFFFFC00  }
0x1d7: {  	[tilespmem:s24], [sflag:$0x2] =	stream.linear.gather [spmem:s23], $0x80, $0x38;
	[tilespmem:$0xEDC0] =	vst v63  }
0x1d8: {  	s26 =	simm.s32 $0xAE00;
	s25 =	sadd.s32 $0x4080, s3  }
0x1d9: {  	[tilespmem:s26], [sflag:$0x2] =	stream.linear.gather [spmem:s25], $0x80, $0x38;
	[tilespmem:$0xEDC0] =	vst v63  }
0x1da: {  	s28 =	sadd.s32 $0x4100, s3;
	s29 =	simm.s32 $0xB200  }
0x1db: {  	[tilespmem:s29], [sflag:$0x2] =	stream.linear.gather [spmem:s28], $0x80, $0x38;
	[tilespmem:$0xEDC0] =	vst v63  }
0x1dc: {  	s31 =	simm.s32 $0xB600;
	s30 =	sadd.s32 $0x4180, s3  }
0x1dd: {  	[tilespmem:s31], [sflag:$0x2] =	stream.linear.gather [spmem:s30], $0x80, $0x38;
	[tilespmem:$0xEDC0] =	vst v63  }
0x1de: {  	s9 =	sadd.s32 $0x4200, s3;
	s10 =	simm.s32 $0xBA00  }
0x1df: {  	[tilespmem:s10], [sflag:$0x2] =	stream.linear.gather [spmem:s9], $0x80, $0x38;
	[tilespmem:$0xEDC0] =	vst v63  }
0x1e0: {  	s11 =	sadd.s32 $0x4280, s3;
	s12 =	simm.s32 $0xBE00  }
0x1e1: {  	[tilespmem:s12], [sflag:$0x2] =	stream.linear.gather [spmem:s11], $0x80, $0x38;
	[tilespmem:$0xEDC0] =	vst v63  }
0x1e2: {  	s13 =	sadd.s32 $0x4300, s3;
	s14 =	simm.s32 $0xC200  }
0x1e3: {  	[tilespmem:s14], [sflag:$0x2] =	stream.linear.gather [spmem:s13], $0x80, $0x38;
	[tilespmem:$0xEDC0] =	vst v63  }
0x1e4: {  	s15 =	sadd.s32 $0x4380, s3;
	s16 =	simm.s32 $0xC600  }
0x1e5: {  	[tilespmem:s16], [sflag:$0x2] =	stream.linear.gather [spmem:s15], $0x80, $0x38;
	[tilespmem:$0xEDC0] =	vst v63  }
0x1e6: {  	_ =	swait.ge [sflag:s5], $0x400  }
0x1e7: {  	[sflag:s5] =	ssyncset.done $0x0  }
0x1e8: {  	s17 =	sadd.s32 $0x8000, s3;
	s18 =	simm.s32 $0xAA80;
	[sflag:s5] =	ssyncadd.s32 $0xFFFFFC00  }
0x1e9: {  	[tilespmem:s18], [sflag:$0x2] =	stream.linear.gather [spmem:s17], $0x80, $0x38;
	[tilespmem:$0xEDC0] =	vst v63  }
0x1ea: {  	s19 =	sadd.s32 $0x8080, s3;
	s20 =	simm.s32 $0xAE80  }
0x1eb: {  	[tilespmem:s20], [sflag:$0x2] =	stream.linear.gather [spmem:s19], $0x80, $0x38;
	[tilespmem:$0xEDC0] =	vst v63  }
0x1ec: {  	s21 =	sadd.s32 $0x8100, s3;
	s22 =	simm.s32 $0xB280  }
0x1ed: {  	[tilespmem:s22], [sflag:$0x2] =	stream.linear.gather [spmem:s21], $0x80, $0x38;
	[tilespmem:$0xEDC0] =	vst v63  }
0x1ee: {  	s23 =	sadd.s32 $0x8180, s3;
	s24 =	simm.s32 $0xB680  }
0x1ef: {  	[tilespmem:s24], [sflag:$0x2] =	stream.linear.gather [spmem:s23], $0x80, $0x38;
	[tilespmem:$0xEDC0] =	vst v63  }
0x1f0: {  	s25 =	sadd.s32 $0x8200, s3;
	s26 =	simm.s32 $0xBA80  }
0x1f1: {  	[tilespmem:s26], [sflag:$0x2] =	stream.linear.gather [spmem:s25], $0x80, $0x38;
	[tilespmem:$0xEDC0] =	vst v63  }
0x1f2: {  	s28 =	sadd.s32 $0x8280, s3;
	s29 =	simm.s32 $0xBE80  }
0x1f3: {  	[tilespmem:s29], [sflag:$0x2] =	stream.linear.gather [spmem:s28], $0x80, $0x38;
	[tilespmem:$0xEDC0] =	vst v63  }
0x1f4: {  	s30 =	sadd.s32 $0x8300, s3;
	s31 =	simm.s32 $0xC280  }
0x1f5: {  	[tilespmem:s31], [sflag:$0x2] =	stream.linear.gather [spmem:s30], $0x80, $0x38;
	[tilespmem:$0xEDC0] =	vst v63  }
0x1f6: {  	s9 =	sadd.s32 $0x8380, s3;
	s10 =	simm.s32 $0xC680  }
0x1f7: {  	[tilespmem:s10], [sflag:$0x2] =	stream.linear.gather [spmem:s9], $0x80, $0x38;
	[tilespmem:$0xEDC0] =	vst v63  }
0x1f8: {  	_ =	swait.ge [sflag:s5], $0x400  }
0x1f9: {  	[sflag:s5] =	ssyncset.done $0x0  }
0x1fa: {  	s11 =	sadd.s32 $0xC000, s3;
	s12 =	simm.s32 $0xAB00;
	[sflag:s5] =	ssyncadd.s32 $0xFFFFFC00  }
0x1fb: {  	[tilespmem:s12], [sflag:$0x2] =	stream.linear.gather [spmem:s11], $0x80, $0x38;
	[tilespmem:$0xEDC0] =	vst v63  }
0x1fc: {  	s13 =	sadd.s32 $0xC080, s3;
	s14 =	simm.s32 $0xAF00  }
0x1fd: {  	[tilespmem:s14], [sflag:$0x2] =	stream.linear.gather [spmem:s13], $0x80, $0x38;
	[tilespmem:$0xEDC0] =	vst v63  }
0x1fe: {  	s15 =	sadd.s32 $0xC100, s3;
	s16 =	simm.s32 $0xB300  }
0x1ff: {  	[tilespmem:s16], [sflag:$0x2] =	stream.linear.gather [spmem:s15], $0x80, $0x38;
	[tilespmem:$0xEDC0] =	vst v63  }
0x200: {  	s17 =	sadd.s32 $0xC180, s3;
	s18 =	simm.s32 $0xB700  }
0x201: {  	[tilespmem:s18], [sflag:$0x2] =	stream.linear.gather [spmem:s17], $0x80, $0x38;
	[tilespmem:$0xEDC0] =	vst v63  }
0x202: {  	s19 =	sadd.s32 $0xC200, s3;
	s20 =	simm.s32 $0xBB00  }
0x203: {  	[tilespmem:s20], [sflag:$0x2] =	stream.linear.gather [spmem:s19], $0x80, $0x38;
	[tilespmem:$0xEDC0] =	vst v63  }
0x204: {  	s21 =	sadd.s32 $0xC280, s3;
	s22 =	simm.s32 $0xBF00  }
0x205: {  	[tilespmem:s22], [sflag:$0x2] =	stream.linear.gather [spmem:s21], $0x80, $0x38;
	[tilespmem:$0xEDC0] =	vst v63  }
0x206: {  	s23 =	sadd.s32 $0xC300, s3;
	s24 =	simm.s32 $0xC300  }
0x207: {  	[tilespmem:s24], [sflag:$0x2] =	stream.linear.gather [spmem:s23], $0x80, $0x38;
	[tilespmem:$0xEDC0] =	vst v63  }
0x208: {  	s25 =	sadd.s32 $0xC380, s3;
	s26 =	simm.s32 $0xC700  }
0x209: {  	[tilespmem:s26], [sflag:$0x2] =	stream.linear.gather [spmem:s25], $0x80, $0x38;
	[tilespmem:$0xEDC0] =	vst v63  }
0x20a: {  	_ =	swait.ge [sflag:s5], $0x400  }
0x20b: {  	[sflag:s5] =	ssyncset.done $0x0  }
0x20c: {  	s28 =	sadd.s32 $0x10000, s3;
	s29 =	simm.s32 $0xAB80;
	[sflag:s5] =	ssyncadd.s32 $0xFFFFFC00  }
0x20d: {  	[tilespmem:s29], [sflag:$0x2] =	stream.linear.gather [spmem:s28], $0x80, $0x38;
	[tilespmem:$0xEDC0] =	vst v63  }
0x20e: {  	s30 =	sadd.s32 $0x10080, s3;
	s31 =	simm.s32 $0xAF80  }
0x20f: {  	[tilespmem:s31], [sflag:$0x2] =	stream.linear.gather [spmem:s30], $0x80, $0x38;
	[tilespmem:$0xEDC0] =	vst v63  }
0x210: {  	s9 =	sadd.s32 $0x10100, s3;
	s10 =	simm.s32 $0xB380  }
0x211: {  	[tilespmem:s10], [sflag:$0x2] =	stream.linear.gather [spmem:s9], $0x80, $0x38;
	[tilespmem:$0xEDC0] =	vst v63  }
0x212: {  	s11 =	sadd.s32 $0x10180, s3;
	s12 =	simm.s32 $0xB780  }
0x213: {  	[tilespmem:s12], [sflag:$0x2] =	stream.linear.gather [spmem:s11], $0x80, $0x38;
	[tilespmem:$0xEDC0] =	vst v63  }
0x214: {  	s13 =	sadd.s32 $0x10200, s3;
	s14 =	simm.s32 $0xBB80  }
0x215: {  	[tilespmem:s14], [sflag:$0x2] =	stream.linear.gather [spmem:s13], $0x80, $0x38;
	[tilespmem:$0xEDC0] =	vst v63  }
0x216: {  	s15 =	sadd.s32 $0x10280, s3;
	s16 =	simm.s32 $0xBF80  }
0x217: {  	[tilespmem:s16], [sflag:$0x2] =	stream.linear.gather [spmem:s15], $0x80, $0x38;
	[tilespmem:$0xEDC0] =	vst v63  }
0x218: {  	s17 =	sadd.s32 $0x10300, s3;
	s18 =	simm.s32 $0xC380  }
0x219: {  	[tilespmem:s18], [sflag:$0x2] =	stream.linear.gather [spmem:s17], $0x80, $0x38;
	[tilespmem:$0xEDC0] =	vst v63  }
0x21a: {  	s19 =	sadd.s32 $0x10380, s3;
	s20 =	simm.s32 $0xC780  }
0x21b: {  	[tilespmem:s20], [sflag:$0x2] =	stream.linear.gather [spmem:s19], $0x80, $0x38;
	[tilespmem:$0xEDC0] =	vst v63  }
0x21c: {  	_ =	swait.ge [sflag:s5], $0x400  }
0x21d: {  	[sflag:s5] =	ssyncset.done $0x0  }
0x21e: {  	s21 =	sadd.s32 $0x14000, s3;
	s22 =	simm.s32 $0xAC00;
	[sflag:s5] =	ssyncadd.s32 $0xFFFFFC00  }
0x21f: {  	[tilespmem:s22], [sflag:$0x2] =	stream.linear.gather [spmem:s21], $0x80, $0x38;
	[tilespmem:$0xEDC0] =	vst v63  }
0x220: {  	s23 =	sadd.s32 $0x14080, s3;
	s24 =	simm.s32 $0xB000  }
0x221: {  	[tilespmem:s24], [sflag:$0x2] =	stream.linear.gather [spmem:s23], $0x80, $0x38;
	[tilespmem:$0xEDC0] =	vst v63  }
0x222: {  	s25 =	sadd.s32 $0x14100, s3;
	s26 =	simm.s32 $0xB400  }
0x223: {  	[tilespmem:s26], [sflag:$0x2] =	stream.linear.gather [spmem:s25], $0x80, $0x38;
	[tilespmem:$0xEDC0] =	vst v63  }
0x224: {  	s28 =	sadd.s32 $0x14180, s3;
	s29 =	simm.s32 $0xB800  }
0x225: {  	[tilespmem:s29], [sflag:$0x2] =	stream.linear.gather [spmem:s28], $0x80, $0x38;
	[tilespmem:$0xEDC0] =	vst v63  }
0x226: {  	s30 =	sadd.s32 $0x14200, s3;
	s31 =	simm.s32 $0xBC00  }
0x227: {  	[tilespmem:s31], [sflag:$0x2] =	stream.linear.gather [spmem:s30], $0x80, $0x38;
	[tilespmem:$0xEDC0] =	vst v63  }
0x228: {  	s9 =	sadd.s32 $0x14280, s3;
	s10 =	simm.s32 $0xC000  }
0x229: {  	[tilespmem:s10], [sflag:$0x2] =	stream.linear.gather [spmem:s9], $0x80, $0x38;
	[tilespmem:$0xEDC0] =	vst v63  }
0x22a: {  	s11 =	sadd.s32 $0x14300, s3;
	s12 =	simm.s32 $0xC400  }
0x22b: {  	[tilespmem:s12], [sflag:$0x2] =	stream.linear.gather [spmem:s11], $0x80, $0x38;
	[tilespmem:$0xEDC0] =	vst v63  }
0x22c: {  	s13 =	sadd.s32 $0x14380, s3;
	s14 =	simm.s32 $0xC800  }
0x22d: {  	[tilespmem:s14], [sflag:$0x2] =	stream.linear.gather [spmem:s13], $0x80, $0x38;
	[tilespmem:$0xEDC0] =	vst v63  }
0x22e: {  	_ =	swait.ge [sflag:s5], $0x400  }
0x22f: {  	[sflag:s5] =	ssyncset.done $0x0  }
0x230: {  	s15 =	sadd.s32 $0x18000, s3;
	s16 =	simm.s32 $0xAC80;
	[sflag:s5] =	ssyncadd.s32 $0xFFFFFC00  }
0x231: {  	[tilespmem:s16], [sflag:$0x2] =	stream.linear.gather [spmem:s15], $0x80, $0x38;
	[tilespmem:$0xEDC0] =	vst v63  }
0x232: {  	s17 =	sadd.s32 $0x18080, s3;
	s18 =	simm.s32 $0xB080  }
0x233: {  	[tilespmem:s18], [sflag:$0x2] =	stream.linear.gather [spmem:s17], $0x80, $0x38;
	[tilespmem:$0xEDC0] =	vst v63  }
0x234: {  	s19 =	sadd.s32 $0x18100, s3;
	s20 =	simm.s32 $0xB480  }
0x235: {  	[tilespmem:s20], [sflag:$0x2] =	stream.linear.gather [spmem:s19], $0x80, $0x38;
	[tilespmem:$0xEDC0] =	vst v63  }
0x236: {  	s21 =	sadd.s32 $0x18180, s3;
	s22 =	simm.s32 $0xB880  }
0x237: {  	[tilespmem:s22], [sflag:$0x2] =	stream.linear.gather [spmem:s21], $0x80, $0x38;
	[tilespmem:$0xEDC0] =	vst v63  }
0x238: {  	s23 =	sadd.s32 $0x18200, s3;
	s24 =	simm.s32 $0xBC80  }
0x239: {  	[tilespmem:s24], [sflag:$0x2] =	stream.linear.gather [spmem:s23], $0x80, $0x38;
	[tilespmem:$0xEDC0] =	vst v63  }
0x23a: {  	s25 =	sadd.s32 $0x18280, s3;
	s26 =	simm.s32 $0xC080  }
0x23b: {  	[tilespmem:s26], [sflag:$0x2] =	stream.linear.gather [spmem:s25], $0x80, $0x38;
	[tilespmem:$0xEDC0] =	vst v63  }
0x23c: {  	s28 =	sadd.s32 $0x18300, s3;
	s29 =	simm.s32 $0xC480  }
0x23d: {  	[tilespmem:s29], [sflag:$0x2] =	stream.linear.gather [spmem:s28], $0x80, $0x38;
	[tilespmem:$0xEDC0] =	vst v63  }
0x23e: {  	s30 =	sadd.s32 $0x18380, s3;
	s31 =	simm.s32 $0xC880  }
0x23f: {  	[tilespmem:s31], [sflag:$0x2] =	stream.linear.gather [spmem:s30], $0x80, $0x38;
	[tilespmem:$0xEDC0] =	vst v63  }
0x240: {  	_ =	swait.ge [sflag:s5], $0x400  }
0x241: {  	[sflag:s5] =	ssyncset.done $0x0  }
0x242: {  	s8 =	sadd.s32 $0x1C000, s3;
	s9 =	simm.s32 $0xAD00;
	[sflag:s5] =	ssyncadd.s32 $0xFFFFFC00  }
0x243: {  	[tilespmem:s9], [sflag:$0x2] =	stream.linear.gather [spmem:s8], $0x80, $0x38;
	[tilespmem:$0xEDC0] =	vst v63  }
0x244: {  	s10 =	sadd.s32 $0x1C080, s3;
	s11 =	simm.s32 $0xB100  }
0x245: {  	[tilespmem:s11], [sflag:$0x2] =	stream.linear.gather [spmem:s10], $0x80, $0x38;
	[tilespmem:$0xEDC0] =	vst v63  }
0x246: {  	s12 =	sadd.s32 $0x1C100, s3;
	s13 =	simm.s32 $0xB500  }
0x247: {  	[tilespmem:s13], [sflag:$0x2] =	stream.linear.gather [spmem:s12], $0x80, $0x38;
	[tilespmem:$0xEDC0] =	vst v63  }
0x248: {  	s14 =	sadd.s32 $0x1C180, s3;
	s15 =	simm.s32 $0xB900  }
0x249: {  	[tilespmem:s15], [sflag:$0x2] =	stream.linear.gather [spmem:s14], $0x80, $0x38;
	[tilespmem:$0xEDC0] =	vst v63  }
0x24a: {  	s16 =	sadd.s32 $0x1C200, s3;
	s17 =	simm.s32 $0xBD00  }
0x24b: {  	[tilespmem:s17], [sflag:$0x2] =	stream.linear.gather [spmem:s16], $0x80, $0x38;
	[tilespmem:$0xEDC0] =	vst v63  }
0x24c: {  	s18 =	sadd.s32 $0x1C280, s3;
	s19 =	simm.s32 $0xC100  }
0x24d: {  	[tilespmem:s19], [sflag:$0x2] =	stream.linear.gather [spmem:s18], $0x80, $0x38;
	[tilespmem:$0xEDC0] =	vst v63  }
0x24e: {  	s20 =	sadd.s32 $0x1C300, s3;
	s21 =	simm.s32 $0xC500  }
0x24f: {  	[tilespmem:s21], [sflag:$0x2] =	stream.linear.gather [spmem:s20], $0x80, $0x38;
	[tilespmem:$0xEDC0] =	vst v63  }
0x250: {  	s3 =	sadd.s32 $0x1C380, s3;
	s22 =	simm.s32 $0xC900;
	s23 =	simm.s32 $0x0  }
0x251: {  	[tilespmem:s22], [sflag:$0x2] =	stream.linear.gather [spmem:s3], $0x80, $0x38;
	[tilespmem:$0xEDC0] =	vst v63  }
0x252: {  	s24 =	sand.u32 $0x60, s23;
	s25 =	sand.u32 $0x1C00, s7;
	_ =	swait.ge [sflag:s5], $0x400  }
0x253: {  	s26 =	sor.u32 $0x10, s24;
	s4 =	sadd.s32 $0xA980, s25;
	[sflag:s5] =	ssyncset.done $0x0  }
0x254: {  	s28 =	sor.u32 s26, s4;
	[sflag:s5] =	ssyncadd.s32 $0xFFFFFC00  }
0x255: {  	v0 =	vld [tilespmem:s28+$0x0]  }
0x256: {  	s11 =	sor.u32 s24, s4;
	v1 =	vld [tilespmem:s28+$0x80]  }
0x257: {  	v2 =	vld [tilespmem:s11+$0x0]  }
0x258: {  	v3 =	vld [tilespmem:s28+$0x100]  }
0x259: {  	v4 =	vld [tilespmem:s11+$0x80]  }
0x25a: {  	v5 =	vld [tilespmem:s28+$0x180]  }
0x25b: {  	v6 =	vld [tilespmem:s11+$0x100]  }
0x25c: {  	v7 =	vld [tilespmem:s28+$0x200]  }
0x25d: {  	v8 =	vld [tilespmem:s11+$0x180]  }
0x25e: {  	v61 =	vld [tilespmem:s28+$0x280];
	v0 =	vadd.f32 v1, v0  }
0x25f: {  	v1 =	vld [tilespmem:s11+$0x200];
	v2 =	vadd.f32 v4, v2  }
0x260: {  	v4 =	vld [tilespmem:s28+$0x300];
	v0 =	vadd.f32 v3, v0  }
0x261: {  	s4 =	simm.s32 $0x20;
	s5 =	simm.s32 $0x100;
	v3 =	vld [tilespmem:s11+$0x280];
	v2 =	vadd.f32 v6, v2  }
0x262: {  	s29 =	sand.u32 $0x60, s4;
	s30 =	sand.u32 $0x1C00, s5;
	v6 =	vld [tilespmem:s28+$0x380];
	v0 =	vadd.f32 v5, v0  }
0x263: {  	s3 =	sor.u32 $0x10, s29;
	s31 =	sadd.s32 $0xA980, s30;
	v5 =	vld [tilespmem:s11+$0x300];
	v2 =	vadd.f32 v8, v2  }
0x264: {  	s8 =	sor.u32 s3, s31;
	v8 =	vld [tilespmem:s11+$0x380];
	v0 =	vadd.f32 v7, v0  }
0x265: {  	v7 =	vld [tilespmem:s8+$0x0];
	v1 =	vadd.f32 v1, v2  }
0x266: {  	s7 =	sor.u32 s29, s31;
	v2 =	vld [tilespmem:s8+$0x80];
	v0 =	vadd.f32 v61, v0  }
0x267: {  	v62 =	vld [tilespmem:s7+$0x0];
	v1 =	vadd.f32 v3, v1  }
0x268: {  	v3 =	vld [tilespmem:s8+$0x100];
	v0 =	vadd.f32 v4, v0  }
0x269: {  	v4 =	vld [tilespmem:s7+$0x80];
	v1 =	vadd.f32 v5, v1  }
0x26a: {  	v63 =	vld [tilespmem:s8+$0x180];
	v5 =	vadd.f32 v6, v0  }
0x26b: {  	v2 =	vadd.f32 v2, v7;
	v6 =	vld [tilespmem:s7+$0x100];
	v7 =	vadd.f32 v8, v1  }
0x26c: {  	s9 =	sand.u32 $0x380, s23;
	v1 =	vld [tilespmem:s8+$0x200];
	v0 =	vimm.s32 $0x0;
	vm14 =	veq.f32 v5, $0.0e+00  }
0x26d: {  	s10 =	sor.u32 s26, s9;
	v8 =	vadd.f32 v3, v2;
	v2 =	vld [tilespmem:s7+$0x180];
	vm15 =	veq.f32 v7, $0.0e+00;
	v5 =	vsel vm14, $0x1, v0  }
0x26e: {  	s9 =	simm.s32 $0xC980;
	v3 =	vld [tilespmem:s8+$0x280];
	v4 =	vadd.f32 v4, v62;
	v7 =	vsel vm15, $0x1, v0;
	[tilespmem:s10+$0xC980] =	vst v5  }
0x26f: {  	v5 =	vld [tilespmem:s7+$0x200];
	[tilespmem:s9+$0x0] =	vst v7;
	v7 =	vadd.f32 v63, v8  }
0x270: {  	s10 =	simm.s32 $0x20;
	v6 =	vadd.f32 v6, v4;
	v4 =	vld [tilespmem:s8+$0x300]  }
.LBB2_49:
0x271: {  	s4 =	sadd.s32 $0x20, s4;
	v8 =	vld [tilespmem:s7+$0x280];
	v1 =	vadd.f32 v1, v7;
	s5 =	sadd.s32 $0x100, s5  }
0x272: {  	s11 =	sand.u32 $0x60, s4;
	s12 =	sand.u32 $0x1C00, s5;
	p0 =	slt.u32 s4, $0x3E0;
	v2 =	vadd.f32 v2, v6;
	v6 =	vld [tilespmem:s8+$0x380]  }
0x273: {  	s12 =	sadd.s32 $0xA980, s12;
	s13 =	sor.u32 $0x10, s11;
	v7 =	vld [tilespmem:s7+$0x300];
	v1 =	vadd.f32 v3, v1  }
0x274: {  	s8 =	sor.u32 s13, s12;
	v2 =	vadd.f32 v5, v2;
	v3 =	vld [tilespmem:s7+$0x380];
	s7 =	sor.u32 s11, s12  }
0x275: {  	v5 =	vld [tilespmem:s8+$0x0];
	v1 =	vadd.f32 v4, v1  }
0x276: {  	v4 =	vld [tilespmem:s8+$0x80];
	v2 =	vadd.f32 v8, v2  }
0x277: {  	v8 =	vld [tilespmem:s7+$0x0];
	v1 =	vadd.f32 v6, v1  }
0x278: {  	v6 =	vld [tilespmem:s8+$0x100];
	v2 =	vadd.f32 v7, v2  }
0x279: {  	s11 =	sand.u32 $0x380, s10;
	s10 =	smov.u32 s4;
	v7 =	vld [tilespmem:s7+$0x80];
	vm0 =	veq.f32 v1, $0.0e+00  }
0x27a: {  	s11 =	sor.u32 s3, s11;
	s3 =	smov.u32 s13;
	v9 =	vld [tilespmem:s8+$0x180];
	v2 =	vadd.f32 v3, v2;
	v1 =	vsel vm0, $0x1, v0  }
0x27b: {  	v10 =	vld [tilespmem:s7+$0x100];
	v3 =	vadd.f32 v4, v5;
	[tilespmem:s11+$0xC980] =	vst v1  }
.Ltmp24:
0x27c: {  	v1 =	vld [tilespmem:s8+$0x200];
	vm0 =	veq.f32 v2, $0.0e+00;
	(pc) =	sbr.rel @p0 .LBB2_49-.Ltmp24, $4  }
0x27d: {  	s9 =	sadd.s32 $0x20, s9;
	v2 =	vld [tilespmem:s7+$0x180];
	v4 =	vadd.f32 v6, v3;
	v5 =	vsel vm0, $0x1, v0  }
0x27e: {  	v6 =	vadd.f32 v7, v8;
	v3 =	vld [tilespmem:s8+$0x280];
	[tilespmem:s9+$0x0] =	vst v5  }
0x27f: {  	v5 =	vld [tilespmem:s7+$0x200];
	v7 =	vadd.f32 v9, v4  }
0x280: {  	v6 =	vadd.f32 v10, v6;
	v4 =	vld [tilespmem:s8+$0x300]  }
0x281: {  	v8 =	vld [tilespmem:s7+$0x280]  }
0x282: {  	v2 =	vadd.f32 v2, v6  }
0x283: {  	v1 =	vadd.f32 v1, v7;
	v60 =	vld [tilespmem:s7+$0x300]  }
0x284: {  	v61 =	vld [tilespmem:s8+$0x380];
	v2 =	vadd.f32 v5, v2  }
0x285: {  	v62 =	vld [tilespmem:s7+$0x380];
	v1 =	vadd.f32 v3, v1  }
0x286: {  	v2 =	vadd.f32 v8, v2  }
0x287: {  	v1 =	vadd.f32 v4, v1  }
0x288: {  	v2 =	vadd.f32 v60, v2  }
0x289: {  	v1 =	vadd.f32 v61, v1  }
0x28a: {  	v2 =	vadd.f32 v62, v2  }
0x28b: {  	s4 =	sand.u32 $0x380, s10;
	vm0 =	veq.f32 v1, $0.0e+00  }
0x28c: {  	s3 =	sor.u32 s3, s4;
	v1 =	vsel vm0, $0x1, v0;
	vm15 =	veq.f32 v2, $0.0e+00  }
0x28d: {  	s28 =	sadd.s32 $0x20, s9;
	s2 =	sadd.s32 s2, s6;
	[tilespmem:s3+$0xC980] =	vst v1;
	v63 =	vsel vm15, $0x1, v0  }
0x28e: {  	s29 =	simm.s32 $0x0;
	s30 =	simm.s32 $0xC980;
	s31 =	simm.s32 $0x2;
	[tilespmem:s28+$0x0] =	vst v63  }
0x28f: {  	[hbm4b:s2+s29] =	stream.linear.scatter [tilespmem:s30], [sflag:$0x2], $0x400, $0x38;
	[tilespmem:$0xEDC0] =	vst v63  }
0x290: {  	_ =	swait.ge [sflag:s31], $0x400  }
0x291: {  	[sflag:s31] =	ssyncset.done $0x0  }
0x292: {  	[sflag:s31] =	ssyncadd.s32 $0xFFFFFC00  }
0x293: {  	_ =	sfence.sel $0x180000  }
0x294: {  	[bflag:$0x0] =	sbarrier.arrive $0xFFFF  }
0x295: {  	p0 =	sne.s32 s1, $0x0;
	_ =	strace $0x90000047  }
0x296: {  	s0 =	sadd.s32 @!p0 $0x100000, s0;
	[bflag:$0x2] =	sbarrier.arrive $0xFFFF  }
0x297: {  	[sflag:s0] =	ssyncadd.tile.s32 @!p0 $0x1;
	_ =	shalt  }
.Lfunc_end2:
_tile_overlayer_lowered:
.L_overlay_start_2:
0x298: {  	(tag) =	ssettag $0x2  }
0x299: {  	s0 =	rddreg [dreg:$0x0];
	s2 =	stileid.u32  }
0x29a: {  	s1 =	rddreg [dreg:$0x1];
	p0 =	sne.s32 s2, $0x0  }
0x29b: {  	s3 =	rddreg [dreg:$0x2];
	[bflag:$0x3] =	sbarrier.arrive $0xFFFF;
	s2 =	simm.s32 @!p0 $0x1C02  }
0x29c: {  	[timem:s3], [sflag:s2] =	dma.local @!p0 [hbm:s0], s1  }
0x29d: {  	s0 =	simm.s32 @!p0 $0x2  }
0x29e: {  	_ =	swait.ge @!p0 [sflag:s0], s1  }
0x29f: {  	s1 =	ssub.s32 @!p0 $0x0, s1;
	[sflag:s0] =	ssyncset.done @!p0 $0x0  }
0x2a0: {  	[sflag:s0] =	ssyncadd.s32 @!p0 s1  }
0x2a1: {  	[bflag:$0x3] =	sbarrier.arrive $0xFFFF  }
0x2a2: {  	_ =	shalt  }

</sc_bundles>
